<compile_context>
chip_gen: v7x
topology: tpu7x:2x2x1
jax: 0.10.2.dev20260603
libtpu: 0.0.44.dev20260713+nightly
codegen_flags: <defaults>
</compile_context>

<pallas_src>
import functools
import math

import jax
import jax.numpy as jnp
from jax import lax
from jax.experimental import pallas as pl
from jax.experimental.pallas import tpu as pltpu
from jax.experimental.pallas import tpu_sc as plsc
from jax.scipy.linalg import block_diag

N = 10000
E = 320000
D_IN = 128
D = 64
D_EMB = 64
NH = 4
DK = 16
C = 40
S = D + 1
EPS = 1e-5

NC = 2
NS = 16
NW = NC * NS
EW = E // NW
CHUNK = 80
NCH = EW // CHUNK
N_PAD = 10240
RPT = N_PAD // NS



def _sc_mesh():
    return plsc.VectorSubcoreMesh(core_axis_name="c", subcore_axis_name="s")


def _sc_degree(dst_r):

    @functools.partial(
        pl.kernel,
        out_type=jax.ShapeDtypeStruct((NC, N_PAD, 16), jnp.float32),
        mesh=_sc_mesh(),
        compiler_params=pltpu.CompilerParams(use_tc_tiling_on_sc=False),
        scratch_types=[
            pltpu.VMEM((NCH, CHUNK), jnp.int32),
            pltpu.VMEM((CHUNK, 16), jnp.float32),
            pltpu.VMEM((RPT, 16), jnp.float32),
            pltpu.VMEM_SHARED((N_PAD, 16), jnp.float32),
        ],
    )
    def k(dst_hbm, out_hbm, dstv, ones_v, zb, acc):
        c = lax.axis_index("c")
        s = lax.axis_index("s")
        w = c * NS + s

        def fill_ones(i, carry):
            ones_v[i, :] = jnp.ones((16,), jnp.float32)
            return carry

        lax.fori_loop(0, CHUNK, fill_ones, 0)

        def fill_zero(i, carry):
            zb[i, :] = jnp.zeros((16,), jnp.float32)
            return carry

        lax.fori_loop(0, RPT, fill_zero, 0)

        pltpu.sync_copy(zb, acc.at[pl.ds(s * RPT, RPT)])
        plsc.subcore_barrier()

        pltpu.sync_copy(dst_hbm.at[w], dstv)

        def body(j, carry):
            pltpu.sync_copy(ones_v, acc.at[dstv.at[j]], add=True)
            return carry

        lax.fori_loop(0, NCH, body, 0)
        plsc.subcore_barrier()
        pltpu.sync_copy(acc.at[pl.ds(s * RPT, RPT)],
                        out_hbm.at[c, pl.ds(s * RPT, RPT)])

    return k(dst_r)


def _sc_aggregate(hs, src_r, dst_r):

    @functools.partial(
        pl.kernel,
        out_type=jax.ShapeDtypeStruct((NC, N_PAD, D), jnp.float32),
        mesh=_sc_mesh(),
        compiler_params=pltpu.CompilerParams(use_tc_tiling_on_sc=False),
        scratch_types=[
            pltpu.VMEM((NCH, CHUNK), jnp.int32),
            pltpu.VMEM((NCH, CHUNK), jnp.int32),
            pltpu.VMEM((CHUNK, D), jnp.float32),
            pltpu.VMEM((RPT, D), jnp.float32),
            pltpu.VMEM_SHARED((N_PAD, D), jnp.float32),
            pltpu.SemaphoreType.DMA,
        ],
    )
    def k(hs_hbm, src_hbm, dst_hbm, out_hbm, srcv, dstv, rows, zb, acc, sem):
        c = lax.axis_index("c")
        s = lax.axis_index("s")
        w = c * NS + s

        def fill_zero(i, carry):
            for q in range(D // 16):
                zb[i, pl.ds(q * 16, 16)] = jnp.zeros((16,), jnp.float32)
            return carry

        lax.fori_loop(0, RPT, fill_zero, 0)
        pltpu.sync_copy(zb, acc.at[pl.ds(s * RPT, RPT)])
        plsc.subcore_barrier()

        pltpu.sync_copy(src_hbm.at[w], srcv)
        pltpu.sync_copy(dst_hbm.at[w], dstv)

        def body(j, carry):
            pltpu.async_copy(hs_hbm.at[srcv.at[j]], rows, sem).wait()
            pltpu.sync_copy(rows, acc.at[dstv.at[j]], add=True)
            return carry

        lax.fori_loop(0, NCH, body, 0)
        plsc.subcore_barrier()
        pltpu.sync_copy(acc.at[pl.ds(s * RPT, RPT)],
                        out_hbm.at[c, pl.ds(s * RPT, RPT)])

    return k(hs, src_r, dst_r)



_B = 1000


def _dinv_from(degp_ref):
    deg = degp_ref[0, :, 0:1] + degp_ref[1, :, 0:1] + 1.0
    return lax.rsqrt(deg)


def _gelu(v):
    return 0.5 * v * (1.0 + lax.erf(v * (1.0 / math.sqrt(2.0))))


def _full2d(shape):
    return pl.BlockSpec(shape, lambda i: (0, 0))


def _tc_pre(x, degp, pre_W, pre_b, g1_W):
    def body(x_ref, degp_ref, pw_ref, pb_ref, gw_ref, out_ref):
        dinv = _dinv_from(degp_ref)
        h0 = jnp.dot(x_ref[...], pw_ref[...],
                     preferred_element_type=jnp.float32) + pb_ref[...]
        t1 = jnp.dot(h0, gw_ref[...], preferred_element_type=jnp.float32)
        out_ref[...] = t1 * dinv

    return pl.pallas_call(
        body,
        grid=(N // _B,),
        in_specs=[
            pl.BlockSpec((_B, D_IN), lambda i: (i, 0)),
            pl.BlockSpec((NC, _B, 16), lambda i: (0, i, 0)),
            _full2d((D_IN, D)),
            _full2d((1, D)),
            _full2d((D, D)),
        ],
        out_specs=pl.BlockSpec((_B, D), lambda i: (i, 0)),
        out_shape=jax.ShapeDtypeStruct((N, D), jnp.float32),
    )(x, degp, pre_W, pre_b.reshape(1, D), g1_W)


def _tc_mid(acc1p, hs1, degp, g1_b, g2_W):
    def body(a_ref, hs_ref, degp_ref, gb_ref, gw_ref, out_ref):
        dinv = _dinv_from(degp_ref)
        out1 = dinv * (a_ref[0] + a_ref[1] + hs_ref[...]) + gb_ref[...]
        h1 = _gelu(out1)
        t2 = jnp.dot(h1, gw_ref[...], preferred_element_type=jnp.float32)
        out_ref[...] = t2 * dinv

    return pl.pallas_call(
        body,
        grid=(N // _B,),
        in_specs=[
            pl.BlockSpec((NC, _B, D), lambda i: (0, i, 0)),
            pl.BlockSpec((_B, D), lambda i: (i, 0)),
            pl.BlockSpec((NC, _B, 16), lambda i: (0, i, 0)),
            _full2d((1, D)),
            _full2d((D, D)),
        ],
        out_specs=pl.BlockSpec((_B, D), lambda i: (i, 0)),
        out_shape=jax.ShapeDtypeStruct((N, D), jnp.float32),
    )(acc1p, hs1, degp, g1_b.reshape(1, D), g2_W)


def _tc_head(acc2p, hs2, degp, g2_b, consts):
    (s_f, a_coef, b_coef, s64, qv, v64, xn64, Pv_bd, Wo, bo,
     n2_g, n2_b, ffn_W1, ffn_b1, ffn_W2, ffn_b2, alpha2d, cls_W, cls_b) = consts

    def body(a_ref, hs_ref, degp_ref, gb_ref, sf_ref, ac_ref, bc_ref,
             s64_ref, qv_ref, v64_ref, xn_ref, pv_ref, wo_ref, bo_ref,
             n2g_ref, n2b_ref, w1_ref, b1_ref, w2_ref, b2_ref, al_ref,
             cw_ref, cb_ref, out_ref):
        dinv = _dinv_from(degp_ref)
        h2 = dinv * (a_ref[0] + a_ref[1] + hs_ref[...]) + gb_ref[...]

        mu = jnp.mean(h2, axis=1, keepdims=True)
        zc = h2 - mu
        var = jnp.mean(zc * zc, axis=1, keepdims=True)
        zn = zc * lax.rsqrt(var + EPS)
        r = zn * lax.rsqrt(zn * zn * sf_ref[...] + EPS)

        wr_parts = []
        extra_parts = []
        for h in range(NH):
            sch = r * ac_ref[h:h + 1, :] + bc_ref[h:h + 1, :]
            s64h = s64_ref[0:1, h:h + 1]
            mh = jnp.maximum(jnp.max(sch, axis=1, keepdims=True), s64h)
            eh = jnp.exp(sch - mh)
            elh = jnp.exp(s64h - mh)
            inv_den = 1.0 / (jnp.sum(eh, axis=1, keepdims=True) + elh)
            wlh = elh * inv_den
            wr_parts.append((eh * inv_den) * r)
            extra_parts.append((1.0 - wlh) * qv_ref[0:1, h * DK:(h + 1) * DK]
                               + wlh * v64_ref[0:1, h * DK:(h + 1) * DK])
        WR = jnp.concatenate(wr_parts, axis=1)
        attn = (jnp.dot(WR, pv_ref[...], preferred_element_type=jnp.float32)
                + jnp.concatenate(extra_parts, axis=1))

        o = jnp.dot(attn, wo_ref[...],
                    preferred_element_type=jnp.float32) + bo_ref[...]
        mu2 = jnp.mean(o, axis=1, keepdims=True)
        oc = o - mu2
        var2 = jnp.mean(oc * oc, axis=1, keepdims=True)
        on2 = oc * lax.rsqrt(var2 + EPS) * n2g_ref[...] + n2b_ref[...]
        f = _gelu(jnp.dot(on2, w1_ref[...],
                          preferred_element_type=jnp.float32) + b1_ref[...])
        f2 = jnp.dot(f, w2_ref[...],
                     preferred_element_type=jnp.float32) + b2_ref[...]
        hh = o + f2
        zf = al_ref[...] * hh + xn_ref[...]
        out_ref[...] = jnp.dot(zf, cw_ref[...],
                               preferred_element_type=jnp.float32) + cb_ref[...]

    return pl.pallas_call(
        body,
        grid=(N // _B,),
        in_specs=[
            pl.BlockSpec((NC, _B, D), lambda i: (0, i, 0)),
            pl.BlockSpec((_B, D), lambda i: (i, 0)),
            pl.BlockSpec((NC, _B, 16), lambda i: (0, i, 0)),
            _full2d((1, D)),
            _full2d((1, D)),
            _full2d((NH, D)),
            _full2d((NH, D)),
            _full2d((1, NH)),
            _full2d((1, D_EMB)),
            _full2d((1, D_EMB)),
            _full2d((1, D_EMB)),
            _full2d((NH * D, D_EMB)),
            _full2d((D_EMB, D_EMB)),
            _full2d((1, D_EMB)),
            _full2d((1, D_EMB)),
            _full2d((1, D_EMB)),
            _full2d((D_EMB, 2 * D_EMB)),
            _full2d((1, 2 * D_EMB)),
            _full2d((2 * D_EMB, D_EMB)),
            _full2d((1, D_EMB)),
            _full2d((1, 1)),
            _full2d((D_EMB, C)),
            _full2d((1, C)),
        ],
        out_specs=pl.BlockSpec((_B, C), lambda i: (i, 0)),
        out_shape=jax.ShapeDtypeStruct((N, C), jnp.float32),
    )(acc2p, hs2, degp, g2_b.reshape(1, D), s_f, a_coef, b_coef, s64, qv,
      v64, xn64, Pv_bd, Wo, bo.reshape(1, D_EMB), n2_g.reshape(1, D_EMB),
      n2_b.reshape(1, D_EMB), ffn_W1, ffn_b1.reshape(1, 2 * D_EMB), ffn_W2,
      ffn_b2.reshape(1, D_EMB), alpha2d, cls_W, cls_b.reshape(1, C))



def _head_consts(feat_emb, label_token, Wq, bq, Wk, bk, Wv, bv, n1_g, n1_b,
                 A, alpha):
    mask = jnp.ones((S, S), jnp.float32)
    mask = mask.at[D:, :].set(0.0)
    mask = mask * (1.0 - jnp.eye(S, dtype=jnp.float32))
    A_nd = A * mask
    cm = jnp.abs(A_nd).T
    cmax = jnp.max(cm)
    cm = jnp.where(cmax > 1e-6, cm / jnp.where(cmax > 1e-6, cmax, 1.0),
                   cm + 0.001)
    cm = (cm * (1.0 - jnp.eye(S, dtype=jnp.float32))
          + jnp.eye(S, dtype=jnp.float32))
    dag64 = jnp.log(cm + 1e-9)[S - 1]

    m_f = jnp.mean(feat_emb, axis=1)
    s_f = jnp.var(feat_emb, axis=1)
    gu = (feat_emb - m_f[:, None]) * n1_g[None, :]

    lab = label_token.reshape(D_EMB)
    lab_n = (lab - jnp.mean(lab)) * lax.rsqrt(jnp.var(lab) + EPS)
    xn64 = lab_n * n1_g + n1_b

    qrow = xn64 @ Wq + bq
    Pk = gu @ Wk
    qk = n1_b @ Wk + bk
    k64 = xn64 @ Wk + bk
    Pv = gu @ Wv
    qv = n1_b @ Wv + bv
    v64 = xn64 @ Wv + bv

    scale = 1.0 / math.sqrt(DK)
    qh = qrow.reshape(NH, DK)
    a_coef = jnp.einsum('hd,ihd->hi', qh, Pk.reshape(D, NH, DK)) * scale
    b_coef = ((qh * qk.reshape(NH, DK)).sum(-1)[:, None] * scale
              + dag64[None, :D])
    s64 = ((qh * k64.reshape(NH, DK)).sum(-1) * scale + dag64[D]).reshape(1, NH)

    Pvh = Pv.reshape(D, NH, DK)
    Pv_bd = block_diag(*[Pvh[:, h, :] for h in range(NH)])

    return (s_f.reshape(1, D), a_coef, b_coef, s64, qv.reshape(1, D_EMB),
            v64.reshape(1, D_EMB), xn64.reshape(1, D_EMB), Pv_bd,
            alpha.reshape(1, 1))



def kernel(x, edge_index, pre_W, pre_b, g1_W, g1_b, g2_W, g2_b, feat_emb,
           label_token, Wq, bq, Wk, bk, Wv, bv, Wo, bo, alpha, ffn_W1,
           ffn_b1, ffn_W2, ffn_b2, n1_g, n1_b, n2_g, n2_b, A, cls_W, cls_b):
    src_r = edge_index[0].reshape(NW, NCH, CHUNK)
    dst_r = edge_index[1].reshape(NW, NCH, CHUNK)

    degp = _sc_degree(dst_r)
    hs1 = _tc_pre(x, degp, pre_W, pre_b, g1_W)
    acc1p = _sc_aggregate(hs1, src_r, dst_r)
    hs2 = _tc_mid(acc1p, hs1, degp, g1_b, g2_W)
    acc2p = _sc_aggregate(hs2, src_r, dst_r)

    (s_f, a_coef, b_coef, s64, qv, v64, xn64, Pv_bd, alpha2d) = _head_consts(
        feat_emb, label_token, Wq, bq, Wk, bk, Wv, bv, n1_g, n1_b, A, alpha)
    consts = (s_f, a_coef, b_coef, s64, qv, v64, xn64, Pv_bd, Wo, bo,
              n2_g, n2_b, ffn_W1, ffn_b1, ffn_W2, ffn_b2, alpha2d,
              cls_W, cls_b)
    return _tc_head(acc2p, hs2, degp, g2_b, consts)

# --- scband reference (transcript-rebuilt; emitter-appended) ---
"""Pipeline reference for scband-graph-ciw-48687749267506 (READ-ONLY COPY).

The authoritative reference and input builder live on the scoring server;
editing this copy changes nothing except your own understanding.
"""

import jax, jax.numpy as jnp
import numpy as np
import math

N = 10000
E = 320000
D_IN = 128
D = 64
D_EMB = 64
NH = 4
DK = 16
C = 40
S = D + 1


def _ln(x, g=None, b=None, eps=1e-5):
    m = jnp.mean(x, axis=-1, keepdims=True)
    v = jnp.var(x, axis=-1, keepdims=True)
    y = (x - m) / jnp.sqrt(v + eps)
    if g is not None:
        y = y * g + b
    return y


def _gcn(x, src, dst, W, b):
    h = x @ W
    sl = jnp.arange(N)
    s = jnp.concatenate([src, sl])
    d = jnp.concatenate([dst, sl])
    deg = jnp.zeros((N,), dtype=h.dtype).at[d].add(1.0)
    dinv = jnp.where(deg > 0, 1.0 / jnp.sqrt(deg), 0.0)
    norm = dinv[s] * dinv[d]
    msg = h[s] * norm[:, None]
    out = jnp.zeros_like(h).at[d].add(msg)
    return out + b


def _forward(x, src, dst, pre_W, pre_b, g1_W, g1_b, g2_W, g2_b, feat_emb, label_token, Wq, bq, Wk, bk, Wv, bv, Wo, bo, alpha, ffn_W1, ffn_b1, ffn_W2, ffn_b2, n1_g, n1_b, n2_g, n2_b, A, cls_W, cls_b):
    h = x @ pre_W + pre_b
    h = jax.nn.gelu(_gcn(h, src, dst, g1_W, g1_b), approximate=False)
    h = _gcn(h, src, dst, g2_W, g2_b)
    # get_masked_A: zero last row (label token row) and diagonal
    mask = jnp.ones((S, S), dtype=jnp.float32)
    mask = mask.at[D:, :].set(0.0)
    mask = mask * (1.0 - jnp.eye(S, dtype=jnp.float32))
    A_nd = A * mask
    # CausalFeatureTransformer (chunking is per-node independent -> full batch)
    Zn = _ln(h)
    X = jnp.concatenate([Zn[:, :, None] * feat_emb[None], jnp.broadcast_to(label_token, (h.shape[0], 1, D_EMB))], axis=1)
    Xn = _ln(X, n1_g, n1_b)
    Q = (Xn @ Wq + bq).reshape(-1, S, NH, DK).transpose(0, 2, 1, 3)
    K = (Xn @ Wk + bk).reshape(-1, S, NH, DK).transpose(0, 2, 1, 3)
    V = (Xn @ Wv + bv).reshape(-1, S, NH, DK).transpose(0, 2, 1, 3)
    scores = jnp.einsum('nhqd,nhkd->nhqk', Q, K) / math.sqrt(DK)
    cm = jnp.abs(A_nd).T
    cmax = jnp.max(cm)
    cm = jnp.where(cmax > 1e-6, cm / jnp.where(cmax > 1e-6, cmax, 1.0), cm + 0.001)
    cm = cm * (1.0 - jnp.eye(S, dtype=jnp.float32)) + jnp.eye(S, dtype=jnp.float32)
    dag = jnp.log(cm + 1e-9)
    scores = scores + dag[None, None]
    attn = jax.nn.softmax(scores, axis=-1)
    out = jnp.einsum('nhqk,nhkd->nhqd', attn, V).transpose(0, 2, 1, 3).reshape(-1, S, D_EMB)
    out = out @ Wo + bo
    Hh = out + (jax.nn.gelu(_ln(out, n2_g, n2_b) @ ffn_W1 + ffn_b1, approximate=False) @ ffn_W2 + ffn_b2)
    Zf = alpha * Hh + Xn
    z = Zf[:, -1, :]
    return z @ cls_W + cls_b


def setup_inputs(seed: int = 0):
    key = jax.random.key(seed)
    ks = jax.random.split(key, 32)
    def nrm(i, shape, s=0.05):
        return jax.random.normal(ks[i], shape, dtype=jnp.float32) * s
    return {
        'x': jax.random.normal(ks[0], (N, D_IN), dtype=jnp.float32),
        'edge_index': jax.random.randint(ks[1], (2, E), 0, N, dtype=jnp.int32),
        'pre_W': nrm(2, (D_IN, D)), 'pre_b': jnp.zeros((D,), jnp.float32),
        'g1_W': nrm(3, (D, D)), 'g1_b': jnp.zeros((D,), jnp.float32),
        'g2_W': nrm(4, (D, D)), 'g2_b': jnp.zeros((D,), jnp.float32),
        'feat_emb': nrm(5, (D, D_EMB), 0.02),
        'label_token': nrm(6, (1, 1, D_EMB), 0.02),
        'Wq': nrm(7, (D_EMB, D_EMB)), 'bq': jnp.zeros((D_EMB,), jnp.float32),
        'Wk': nrm(8, (D_EMB, D_EMB)), 'bk': jnp.zeros((D_EMB,), jnp.float32),
        'Wv': nrm(9, (D_EMB, D_EMB)), 'bv': jnp.zeros((D_EMB,), jnp.float32),
        'Wo': nrm(10, (D_EMB, D_EMB)), 'bo': jnp.zeros((D_EMB,), jnp.float32),
        'alpha': jnp.asarray(0.5, dtype=jnp.float32),
        'ffn_W1': nrm(11, (D_EMB, 2 * D_EMB)), 'ffn_b1': jnp.zeros((2 * D_EMB,), jnp.float32),
        'ffn_W2': nrm(12, (2 * D_EMB, D_EMB)), 'ffn_b2': jnp.zeros((D_EMB,), jnp.float32),
        'n1_g': jnp.ones((D_EMB,), jnp.float32), 'n1_b': jnp.zeros((D_EMB,), jnp.float32),
        'n2_g': jnp.ones((D_EMB,), jnp.float32), 'n2_b': jnp.zeros((D_EMB,), jnp.float32),
        'A': jax.random.uniform(ks[13], (S, S), jnp.float32, -0.01, 0.01),
        'cls_W': nrm(14, (D_EMB, C)), 'cls_b': jnp.zeros((C,), jnp.float32),
    }


def reference(x, edge_index, pre_W, pre_b, g1_W, g1_b, g2_W, g2_b, feat_emb, label_token, Wq, bq, Wk, bk, Wv, bv, Wo, bo, alpha, ffn_W1, ffn_b1, ffn_W2, ffn_b2, n1_g, n1_b, n2_g, n2_b, A, cls_W, cls_b):
    return _forward(x, edge_index[0], edge_index[1], pre_W, pre_b, g1_W, g1_b, g2_W, g2_b, feat_emb, label_token, Wq, bq, Wk, bk, Wv, bv, Wo, bo, alpha, ffn_W1, ffn_b1, ffn_W2, ffn_b2, n1_g, n1_b, n2_g, n2_b, A, cls_W, cls_b)

if __name__ == "__main__":
    import jax
    _d = setup_inputs()
    print(jax.jit(kernel)(*tuple(_d.values())))

</pallas_src>

<mosaic_0001>
#map = affine_map<(d0, d1) -> (0, 0)>
#map1 = affine_map<(d0, d1) -> (0, 0, 0)>
module attributes {stable_mosaic.version = 14 : i64} {
  func.func @k(%arg0: i32, %arg1: i32, %arg2: memref<10000x64xf32, #tpu.memory_space<hbm>>, %arg3: memref<32x125x80xi32, #tpu.memory_space<hbm>>, %arg4: memref<32x125x80xi32, #tpu.memory_space<hbm>>, %arg5: memref<2x10240x64xf32, #tpu.memory_space<hbm>>, %arg6: memref<125x80xi32, #tpu.memory_space<vmem>>, %arg7: memref<125x80xi32, #tpu.memory_space<vmem>>, %arg8: memref<80x64xf32, #tpu.memory_space<vmem>>, %arg9: memref<640x64xf32, #tpu.memory_space<vmem>>, %arg10: memref<10240x64xf32, #tpu.memory_space<vmem_shared>>, %arg11: memref<!tpu.dma_semaphore, #tpu.memory_space<semaphore_mem>>) attributes {dimension_semantics = [#tpu.dimension_semantics<core_parallel>, #tpu.dimension_semantics<subcore_parallel>], iteration_bounds = array<i64: 2, 16>, scalar_prefetch = 0 : i64, scratch_operands = 6 : i64, tpu.core_type = #tpu.core_type<sc_vector_subcore>, window_params = [{transform_indices = #map}, {transform_indices = #map1}, {transform_indices = #map1}, {transform_indices = #map1}]} {
    %mul3A = arith.constant 16 : i32
    %mul3A_0 = arith.muli %arg0, %mul3A : i32
    %add3A = arith.addi %mul3A_0, %arg1 : i32
    %scan3A = arith.constant 0 : i32
    %scan3A_1 = arith.constant 0 : i32
    %scan3A_2 = arith.constant 640 : i32
    %scan3A_3 = arith.addi %scan3A_1, %scan3A_2 : i32
    %scan3A_4 = arith.constant 1 : i32
    scf.for %scan3A_19 = %scan3A_1 to %scan3A_3 step %scan3A_4  : i32 {
      %broadcast_in_dim3A = arith.constant 0.000000e+00 : f32
      %broadcast_in_dim3A_20 = vector.broadcast %broadcast_in_dim3A : f32 to vector<16xf32>
      %swap3A = arith.index_cast %scan3A_19 : i32 to index
      %swap3A_21 = arith.constant 0 : index
      %swap3A_22 = tpu.vector_load %arg9[%swap3A, %swap3A_21] {strides = array<i32>} : memref<640x64xf32, #tpu.memory_space<vmem>>, vector<1x16xf32>,
      %swap3A_23 = vector.shape_cast %swap3A_22 : vector<1x16xf32> to vector<16xf32>
      %swap3A_24 = vector.shape_cast %broadcast_in_dim3A_20 : vector<16xf32> to vector<1x16xf32>
      tpu.vector_store %arg9[%swap3A, %swap3A_21], %swap3A_24 {strides = array<i32>} : memref<640x64xf32, #tpu.memory_space<vmem>>, vector<1x16xf32>,
      %broadcast_in_dim3A_25 = arith.constant 0.000000e+00 : f32
      %broadcast_in_dim3A_26 = vector.broadcast %broadcast_in_dim3A_25 : f32 to vector<16xf32>
      %swap3A_27 = arith.index_cast %scan3A_19 : i32 to index
      %swap3A_28 = arith.constant 16 : index
      %swap3A_29 = tpu.vector_load %arg9[%swap3A_27, %swap3A_28] {strides = array<i32>} : memref<640x64xf32, #tpu.memory_space<vmem>>, vector<1x16xf32>,
      %swap3A_30 = vector.shape_cast %swap3A_29 : vector<1x16xf32> to vector<16xf32>
      %swap3A_31 = vector.shape_cast %broadcast_in_dim3A_26 : vector<16xf32> to vector<1x16xf32>
      tpu.vector_store %arg9[%swap3A_27, %swap3A_28], %swap3A_31 {strides = array<i32>} : memref<640x64xf32, #tpu.memory_space<vmem>>, vector<1x16xf32>,
      %broadcast_in_dim3A_32 = arith.constant 0.000000e+00 : f32
      %broadcast_in_dim3A_33 = vector.broadcast %broadcast_in_dim3A_32 : f32 to vector<16xf32>
      %swap3A_34 = arith.index_cast %scan3A_19 : i32 to index
      %swap3A_35 = arith.constant 32 : index
      %swap3A_36 = tpu.vector_load %arg9[%swap3A_34, %swap3A_35] {strides = array<i32>} : memref<640x64xf32, #tpu.memory_space<vmem>>, vector<1x16xf32>,
      %swap3A_37 = vector.shape_cast %swap3A_36 : vector<1x16xf32> to vector<16xf32>
      %swap3A_38 = vector.shape_cast %broadcast_in_dim3A_33 : vector<16xf32> to vector<1x16xf32>
      tpu.vector_store %arg9[%swap3A_34, %swap3A_35], %swap3A_38 {strides = array<i32>} : memref<640x64xf32, #tpu.memory_space<vmem>>, vector<1x16xf32>,
      %broadcast_in_dim3A_39 = arith.constant 0.000000e+00 : f32
      %broadcast_in_dim3A_40 = vector.broadcast %broadcast_in_dim3A_39 : f32 to vector<16xf32>
      %swap3A_41 = arith.index_cast %scan3A_19 : i32 to index
      %swap3A_42 = arith.constant 48 : index
      %swap3A_43 = tpu.vector_load %arg9[%swap3A_41, %swap3A_42] {strides = array<i32>} : memref<640x64xf32, #tpu.memory_space<vmem>>, vector<1x16xf32>,
      %swap3A_44 = vector.shape_cast %swap3A_43 : vector<1x16xf32> to vector<16xf32>
      %swap3A_45 = vector.shape_cast %broadcast_in_dim3A_40 : vector<16xf32> to vector<1x16xf32>
      tpu.vector_store %arg9[%swap3A_41, %swap3A_42], %swap3A_45 {strides = array<i32>} : memref<640x64xf32, #tpu.memory_space<vmem>>, vector<1x16xf32>,
    }
    %scan3A_5 = arith.constant 640 : i32
    %mul3A_6 = arith.constant 640 : i32
    %mul3A_7 = arith.muli %arg1, %mul3A_6 : i32
    "tpu.region"() ({
      %run_scoped3A = tpu.sem_alloc : memref<!tpu.dma_semaphore, #tpu.memory_space<semaphore_mem>>
      %dma_start3A = arith.constant 0 : i32
      %dma_start3A_19 = tpu.memref_slice %arg10[%mul3A_7, %dma_start3A] : memref<10240x64xf32, #tpu.memory_space<vmem_shared>> -> memref<640x64xf32, #tpu.memory_space<vmem_shared>>
      %dma_start3A_20 = arith.constant 0 : i32
      %dma_start3A_21 = tpu.memref_slice %arg10[%mul3A_7, %dma_start3A_20] : memref<10240x64xf32, #tpu.memory_space<vmem_shared>> -> memref<640x64xf32, #tpu.memory_space<vmem_shared>>
      tpu.enqueue_dma source(%arg9 : memref<640x64xf32, #tpu.memory_space<vmem>>) target(%dma_start3A_21 : memref<640x64xf32, #tpu.memory_space<vmem_shared>>) target_semaphore(%run_scoped3A : memref<!tpu.dma_semaphore, #tpu.memory_space<semaphore_mem>>)
      %dma_wait3A = arith.constant 0 : i32
      %dma_wait3A_22 = tpu.memref_slice %arg10[%mul3A_7, %dma_wait3A] : memref<10240x64xf32, #tpu.memory_space<vmem_shared>> -> memref<640x64xf32, #tpu.memory_space<vmem_shared>>
      %dma_wait3A_23 = arith.constant 0 : i32
      %dma_wait3A_24 = tpu.memref_slice %arg10[%mul3A_7, %dma_wait3A_23] : memref<10240x64xf32, #tpu.memory_space<vmem_shared>> -> memref<640x64xf32, #tpu.memory_space<vmem_shared>>
      tpu.wait_dma2 semaphore(%run_scoped3A : memref<!tpu.dma_semaphore, #tpu.memory_space<semaphore_mem>>) src(%arg9 : memref<640x64xf32, #tpu.memory_space<vmem>>) dst(%dma_wait3A_24 : memref<640x64xf32, #tpu.memory_space<vmem_shared>>)
      tpu.yield
    }) : () -> ()
    %barrier3A = arith.constant 0 : index
    tpu.barrier barrier_id(%barrier3A)
    "tpu.region"() ({
      %run_scoped3A = tpu.sem_alloc : memref<!tpu.dma_semaphore, #tpu.memory_space<semaphore_mem>>
      %dma_start3A = arith.constant 0 : i32
      %dma_start3A_19 = arith.constant 0 : i32
      %dma_start3A_20 = tpu.memref_slice %arg3[%add3A, %dma_start3A, %dma_start3A_19] : memref<32x125x80xi32, #tpu.memory_space<hbm>> -> memref<1x125x80xi32, #tpu.memory_space<hbm>>
      %dma_start3A_21 = tpu.memref_squeeze %dma_start3A_20 : memref<1x125x80xi32, #tpu.memory_space<hbm>> -> memref<125x80xi32, #tpu.memory_space<hbm>>
      %dma_start3A_22 = arith.constant 0 : i32
      %dma_start3A_23 = arith.constant 0 : i32
      %dma_start3A_24 = tpu.memref_slice %arg3[%add3A, %dma_start3A_22, %dma_start3A_23] : memref<32x125x80xi32, #tpu.memory_space<hbm>> -> memref<1x125x80xi32, #tpu.memory_space<hbm>>
      %dma_start3A_25 = tpu.memref_squeeze %dma_start3A_24 : memref<1x125x80xi32, #tpu.memory_space<hbm>> -> memref<125x80xi32, #tpu.memory_space<hbm>>
      tpu.enqueue_dma source(%dma_start3A_25 : memref<125x80xi32, #tpu.memory_space<hbm>>) target(%arg6 : memref<125x80xi32, #tpu.memory_space<vmem>>) target_semaphore(%run_scoped3A : memref<!tpu.dma_semaphore, #tpu.memory_space<semaphore_mem>>)
      %dma_wait3A = arith.constant 0 : i32
      %dma_wait3A_26 = arith.constant 0 : i32
      %dma_wait3A_27 = tpu.memref_slice %arg3[%add3A, %dma_wait3A, %dma_wait3A_26] : memref<32x125x80xi32, #tpu.memory_space<hbm>> -> memref<1x125x80xi32, #tpu.memory_space<hbm>>
      %dma_wait3A_28 = tpu.memref_squeeze %dma_wait3A_27 : memref<1x125x80xi32, #tpu.memory_space<hbm>> -> memref<125x80xi32, #tpu.memory_space<hbm>>
      %dma_wait3A_29 = arith.constant 0 : i32
      %dma_wait3A_30 = arith.constant 0 : i32
      %dma_wait3A_31 = tpu.memref_slice %arg3[%add3A, %dma_wait3A_29, %dma_wait3A_30] : memref<32x125x80xi32, #tpu.memory_space<hbm>> -> memref<1x125x80xi32, #tpu.memory_space<hbm>>
      %dma_wait3A_32 = tpu.memref_squeeze %dma_wait3A_31 : memref<1x125x80xi32, #tpu.memory_space<hbm>> -> memref<125x80xi32, #tpu.memory_space<hbm>>
      tpu.wait_dma2 semaphore(%run_scoped3A : memref<!tpu.dma_semaphore, #tpu.memory_space<semaphore_mem>>) src(%dma_wait3A_32 : memref<125x80xi32, #tpu.memory_space<hbm>>) dst(%arg6 : memref<125x80xi32, #tpu.memory_space<vmem>>)
      tpu.yield
    }) : () -> ()
    "tpu.region"() ({
      %run_scoped3A = tpu.sem_alloc : memref<!tpu.dma_semaphore, #tpu.memory_space<semaphore_mem>>
      %dma_start3A = arith.constant 0 : i32
      %dma_start3A_19 = arith.constant 0 : i32
      %dma_start3A_20 = tpu.memref_slice %arg4[%add3A, %dma_start3A, %dma_start3A_19] : memref<32x125x80xi32, #tpu.memory_space<hbm>> -> memref<1x125x80xi32, #tpu.memory_space<hbm>>
      %dma_start3A_21 = tpu.memref_squeeze %dma_start3A_20 : memref<1x125x80xi32, #tpu.memory_space<hbm>> -> memref<125x80xi32, #tpu.memory_space<hbm>>
      %dma_start3A_22 = arith.constant 0 : i32
      %dma_start3A_23 = arith.constant 0 : i32
      %dma_start3A_24 = tpu.memref_slice %arg4[%add3A, %dma_start3A_22, %dma_start3A_23] : memref<32x125x80xi32, #tpu.memory_space<hbm>> -> memref<1x125x80xi32, #tpu.memory_space<hbm>>
      %dma_start3A_25 = tpu.memref_squeeze %dma_start3A_24 : memref<1x125x80xi32, #tpu.memory_space<hbm>> -> memref<125x80xi32, #tpu.memory_space<hbm>>
      tpu.enqueue_dma source(%dma_start3A_25 : memref<125x80xi32, #tpu.memory_space<hbm>>) target(%arg7 : memref<125x80xi32, #tpu.memory_space<vmem>>) target_semaphore(%run_scoped3A : memref<!tpu.dma_semaphore, #tpu.memory_space<semaphore_mem>>)
      %dma_wait3A = arith.constant 0 : i32
      %dma_wait3A_26 = arith.constant 0 : i32
      %dma_wait3A_27 = tpu.memref_slice %arg4[%add3A, %dma_wait3A, %dma_wait3A_26] : memref<32x125x80xi32, #tpu.memory_space<hbm>> -> memref<1x125x80xi32, #tpu.memory_space<hbm>>
      %dma_wait3A_28 = tpu.memref_squeeze %dma_wait3A_27 : memref<1x125x80xi32, #tpu.memory_space<hbm>> -> memref<125x80xi32, #tpu.memory_space<hbm>>
      %dma_wait3A_29 = arith.constant 0 : i32
      %dma_wait3A_30 = arith.constant 0 : i32
      %dma_wait3A_31 = tpu.memref_slice %arg4[%add3A, %dma_wait3A_29, %dma_wait3A_30] : memref<32x125x80xi32, #tpu.memory_space<hbm>> -> memref<1x125x80xi32, #tpu.memory_space<hbm>>
      %dma_wait3A_32 = tpu.memref_squeeze %dma_wait3A_31 : memref<1x125x80xi32, #tpu.memory_space<hbm>> -> memref<125x80xi32, #tpu.memory_space<hbm>>
      tpu.wait_dma2 semaphore(%run_scoped3A : memref<!tpu.dma_semaphore, #tpu.memory_space<semaphore_mem>>) src(%dma_wait3A_32 : memref<125x80xi32, #tpu.memory_space<hbm>>) dst(%arg7 : memref<125x80xi32, #tpu.memory_space<vmem>>)
      tpu.yield
    }) : () -> ()
    %scan3A_8 = arith.constant 0 : i32
    %scan3A_9 = arith.constant 0 : i32
    %scan3A_10 = arith.constant 125 : i32
    %scan3A_11 = arith.addi %scan3A_9, %scan3A_10 : i32
    %scan3A_12 = arith.constant 1 : i32
    scf.for %scan3A_19 = %scan3A_9 to %scan3A_11 step %scan3A_12  : i32 {
      %dma_start3A = arith.constant 0 : i32
      %dma_start3A_20 = tpu.memref_slice %arg6[%scan3A_19, %dma_start3A] : memref<125x80xi32, #tpu.memory_space<vmem>> -> memref<1x80xi32, #tpu.memory_space<vmem>>
      %dma_start3A_21 = tpu.memref_squeeze %dma_start3A_20 : memref<1x80xi32, #tpu.memory_space<vmem>> -> memref<80xi32, #tpu.memory_space<vmem>>
      %dma_start3A_22 = arith.constant 0 : i32
      %dma_start3A_23 = arith.constant 0 : i32
      %dma_start3A_24 = tpu.memref_slice %arg2[%dma_start3A_22, %dma_start3A_23] : memref<10000x64xf32, #tpu.memory_space<hbm>> -> memref<10000x64xf32, #tpu.memory_space<hbm>>
      tpu.enqueue_indirect_dma source(%dma_start3A_24 : memref<10000x64xf32, #tpu.memory_space<hbm>>) target(%arg8 : memref<80x64xf32, #tpu.memory_space<vmem>>) offsets(%dma_start3A_21 : memref<80xi32, #tpu.memory_space<vmem>>) semaphore(%arg11 : memref<!tpu.dma_semaphore, #tpu.memory_space<semaphore_mem>>)
      %dma_wait3A = arith.constant 0 : i32
      %dma_wait3A_25 = tpu.memref_slice %arg6[%scan3A_19, %dma_wait3A] : memref<125x80xi32, #tpu.memory_space<vmem>> -> memref<1x80xi32, #tpu.memory_space<vmem>>
      %dma_wait3A_26 = tpu.memref_squeeze %dma_wait3A_25 : memref<1x80xi32, #tpu.memory_space<vmem>> -> memref<80xi32, #tpu.memory_space<vmem>>
      %dma_wait3A_27 = arith.constant 0 : i32
      %dma_wait3A_28 = arith.constant 0 : i32
      %dma_wait3A_29 = tpu.memref_slice %arg2[%dma_wait3A_27, %dma_wait3A_28] : memref<10000x64xf32, #tpu.memory_space<hbm>> -> memref<10000x64xf32, #tpu.memory_space<hbm>>
      tpu.wait_indirect_dma semaphore(%arg11 : memref<!tpu.dma_semaphore, #tpu.memory_space<semaphore_mem>>) src(%dma_wait3A_29 : memref<10000x64xf32, #tpu.memory_space<hbm>>) dst(%arg8 : memref<80x64xf32, #tpu.memory_space<vmem>>)
      "tpu.region"() ({
        %run_scoped3A = tpu.sem_alloc : memref<!tpu.dma_semaphore, #tpu.memory_space<semaphore_mem>>
        %dma_start3A_30 = arith.constant 0 : i32
        %dma_start3A_31 = tpu.memref_slice %arg7[%scan3A_19, %dma_start3A_30] : memref<125x80xi32, #tpu.memory_space<vmem>> -> memref<1x80xi32, #tpu.memory_space<vmem>>
        %dma_start3A_32 = tpu.memref_squeeze %dma_start3A_31 : memref<1x80xi32, #tpu.memory_space<vmem>> -> memref<80xi32, #tpu.memory_space<vmem>>
        %dma_start3A_33 = arith.constant 0 : i32
        %dma_start3A_34 = arith.constant 0 : i32
        %dma_start3A_35 = tpu.memref_slice %arg10[%dma_start3A_33, %dma_start3A_34] : memref<10240x64xf32, #tpu.memory_space<vmem_shared>> -> memref<10240x64xf32, #tpu.memory_space<vmem_shared>>
        tpu.enqueue_indirect_dma source(%arg8 : memref<80x64xf32, #tpu.memory_space<vmem>>) target(%dma_start3A_35 : memref<10240x64xf32, #tpu.memory_space<vmem_shared>>) offsets(%dma_start3A_32 : memref<80xi32, #tpu.memory_space<vmem>>) semaphore(%run_scoped3A : memref<!tpu.dma_semaphore, #tpu.memory_space<semaphore_mem>>) {add = true}
        %dma_wait3A_36 = arith.constant 0 : i32
        %dma_wait3A_37 = tpu.memref_slice %arg7[%scan3A_19, %dma_wait3A_36] : memref<125x80xi32, #tpu.memory_space<vmem>> -> memref<1x80xi32, #tpu.memory_space<vmem>>
        %dma_wait3A_38 = tpu.memref_squeeze %dma_wait3A_37 : memref<1x80xi32, #tpu.memory_space<vmem>> -> memref<80xi32, #tpu.memory_space<vmem>>
        %dma_wait3A_39 = arith.constant 0 : i32
        %dma_wait3A_40 = arith.constant 0 : i32
        %dma_wait3A_41 = tpu.memref_slice %arg10[%dma_wait3A_39, %dma_wait3A_40] : memref<10240x64xf32, #tpu.memory_space<vmem_shared>> -> memref<10240x64xf32, #tpu.memory_space<vmem_shared>>
        tpu.wait_indirect_dma semaphore(%run_scoped3A : memref<!tpu.dma_semaphore, #tpu.memory_space<semaphore_mem>>) src(%arg8 : memref<80x64xf32, #tpu.memory_space<vmem>>) dst(%dma_wait3A_41 : memref<10240x64xf32, #tpu.memory_space<vmem_shared>>)
        tpu.yield
      }) : () -> ()
    }
    %scan3A_13 = arith.constant 125 : i32
    %barrier3A_14 = arith.constant 0 : index
    tpu.barrier barrier_id(%barrier3A_14)
    %mul3A_15 = arith.constant 640 : i32
    %mul3A_16 = arith.muli %arg1, %mul3A_15 : i32
    %mul3A_17 = arith.constant 640 : i32
    %mul3A_18 = arith.muli %arg1, %mul3A_17 : i32
    "tpu.region"() ({
      %run_scoped3A = tpu.sem_alloc : memref<!tpu.dma_semaphore, #tpu.memory_space<semaphore_mem>>
      %dma_start3A = arith.constant 0 : i32
      %dma_start3A_19 = tpu.memref_slice %arg5[%arg0, %mul3A_18, %dma_start3A] : memref<2x10240x64xf32, #tpu.memory_space<hbm>> -> memref<1x640x64xf32, #tpu.memory_space<hbm>>
      %dma_start3A_20 = tpu.memref_squeeze %dma_start3A_19 : memref<1x640x64xf32, #tpu.memory_space<hbm>> -> memref<640x64xf32, #tpu.memory_space<hbm>>
      %dma_start3A_21 = arith.constant 0 : i32
      %dma_start3A_22 = tpu.memref_slice %arg10[%mul3A_16, %dma_start3A_21] : memref<10240x64xf32, #tpu.memory_space<vmem_shared>> -> memref<640x64xf32, #tpu.memory_space<vmem_shared>>
      tpu.enqueue_dma source(%dma_start3A_22 : memref<640x64xf32, #tpu.memory_space<vmem_shared>>) target(%dma_start3A_20 : memref<640x64xf32, #tpu.memory_space<hbm>>) target_semaphore(%run_scoped3A : memref<!tpu.dma_semaphore, #tpu.memory_space<semaphore_mem>>)
      %dma_wait3A = arith.constant 0 : i32
      %dma_wait3A_23 = tpu.memref_slice %arg5[%arg0, %mul3A_18, %dma_wait3A] : memref<2x10240x64xf32, #tpu.memory_space<hbm>> -> memref<1x640x64xf32, #tpu.memory_space<hbm>>
      %dma_wait3A_24 = tpu.memref_squeeze %dma_wait3A_23 : memref<1x640x64xf32, #tpu.memory_space<hbm>> -> memref<640x64xf32, #tpu.memory_space<hbm>>
      %dma_wait3A_25 = arith.constant 0 : i32
      %dma_wait3A_26 = tpu.memref_slice %arg10[%mul3A_16, %dma_wait3A_25] : memref<10240x64xf32, #tpu.memory_space<vmem_shared>> -> memref<640x64xf32, #tpu.memory_space<vmem_shared>>
      tpu.wait_dma2 semaphore(%run_scoped3A : memref<!tpu.dma_semaphore, #tpu.memory_space<semaphore_mem>>) src(%dma_wait3A_26 : memref<640x64xf32, #tpu.memory_space<vmem_shared>>) dst(%dma_wait3A_24 : memref<640x64xf32, #tpu.memory_space<hbm>>)
      tpu.yield
    }) : () -> ()
    return
  }
}

#map = affine_map<(d0, d1) -> (0, 0, 0)>
module attributes {stable_mosaic.version = 14 : i64} {
  func.func @k(%arg0: i32, %arg1: i32, %arg2: memref<32x125x80xi32, #tpu.memory_space<hbm>>, %arg3: memref<2x10240x16xf32, #tpu.memory_space<hbm>>, %arg4: memref<125x80xi32, #tpu.memory_space<vmem>>, %arg5: memref<80x16xf32, #tpu.memory_space<vmem>>, %arg6: memref<640x16xf32, #tpu.memory_space<vmem>>, %arg7: memref<10240x16xf32, #tpu.memory_space<vmem_shared>>) attributes {dimension_semantics = [#tpu.dimension_semantics<core_parallel>, #tpu.dimension_semantics<subcore_parallel>], iteration_bounds = array<i64: 2, 16>, scalar_prefetch = 0 : i64, scratch_operands = 4 : i64, tpu.core_type = #tpu.core_type<sc_vector_subcore>, window_params = [{transform_indices = #map}, {transform_indices = #map}]} {
    %mul3A = arith.constant 16 : i32
    %mul3A_0 = arith.muli %arg0, %mul3A : i32
    %add3A = arith.addi %mul3A_0, %arg1 : i32
    %scan3A = arith.constant 0 : i32
    %scan3A_1 = arith.constant 0 : i32
    %scan3A_2 = arith.constant 80 : i32
    %scan3A_3 = arith.addi %scan3A_1, %scan3A_2 : i32
    %scan3A_4 = arith.constant 1 : i32
    scf.for %scan3A_25 = %scan3A_1 to %scan3A_3 step %scan3A_4  : i32 {
      %broadcast_in_dim3A = arith.constant 1.000000e+00 : f32
      %broadcast_in_dim3A_26 = vector.broadcast %broadcast_in_dim3A : f32 to vector<16xf32>
      %swap3A = arith.index_cast %scan3A_25 : i32 to index
      %swap3A_27 = arith.constant 0 : index
      %swap3A_28 = tpu.vector_load %arg5[%swap3A, %swap3A_27] {strides = array<i32>} : memref<80x16xf32, #tpu.memory_space<vmem>>, vector<1x16xf32>,
      %swap3A_29 = vector.shape_cast %swap3A_28 : vector<1x16xf32> to vector<16xf32>
      %swap3A_30 = vector.shape_cast %broadcast_in_dim3A_26 : vector<16xf32> to vector<1x16xf32>
      tpu.vector_store %arg5[%swap3A, %swap3A_27], %swap3A_30 {strides = array<i32>} : memref<80x16xf32, #tpu.memory_space<vmem>>, vector<1x16xf32>,
    }
    %scan3A_5 = arith.constant 80 : i32
    %scan3A_6 = arith.constant 0 : i32
    %scan3A_7 = arith.constant 0 : i32
    %scan3A_8 = arith.constant 640 : i32
    %scan3A_9 = arith.addi %scan3A_7, %scan3A_8 : i32
    %scan3A_10 = arith.constant 1 : i32
    scf.for %scan3A_25 = %scan3A_7 to %scan3A_9 step %scan3A_10  : i32 {
      %broadcast_in_dim3A = arith.constant 0.000000e+00 : f32
      %broadcast_in_dim3A_26 = vector.broadcast %broadcast_in_dim3A : f32 to vector<16xf32>
      %swap3A = arith.index_cast %scan3A_25 : i32 to index
      %swap3A_27 = arith.constant 0 : index
      %swap3A_28 = tpu.vector_load %arg6[%swap3A, %swap3A_27] {strides = array<i32>} : memref<640x16xf32, #tpu.memory_space<vmem>>, vector<1x16xf32>,
      %swap3A_29 = vector.shape_cast %swap3A_28 : vector<1x16xf32> to vector<16xf32>
      %swap3A_30 = vector.shape_cast %broadcast_in_dim3A_26 : vector<16xf32> to vector<1x16xf32>
      tpu.vector_store %arg6[%swap3A, %swap3A_27], %swap3A_30 {strides = array<i32>} : memref<640x16xf32, #tpu.memory_space<vmem>>, vector<1x16xf32>,
    }
    %scan3A_11 = arith.constant 640 : i32
    %mul3A_12 = arith.constant 640 : i32
    %mul3A_13 = arith.muli %arg1, %mul3A_12 : i32
    "tpu.region"() ({
      %run_scoped3A = tpu.sem_alloc : memref<!tpu.dma_semaphore, #tpu.memory_space<semaphore_mem>>
      %dma_start3A = arith.constant 0 : i32
      %dma_start3A_25 = tpu.memref_slice %arg7[%mul3A_13, %dma_start3A] : memref<10240x16xf32, #tpu.memory_space<vmem_shared>> -> memref<640x16xf32, #tpu.memory_space<vmem_shared>>
      %dma_start3A_26 = arith.constant 0 : i32
      %dma_start3A_27 = tpu.memref_slice %arg7[%mul3A_13, %dma_start3A_26] : memref<10240x16xf32, #tpu.memory_space<vmem_shared>> -> memref<640x16xf32, #tpu.memory_space<vmem_shared>>
      tpu.enqueue_dma source(%arg6 : memref<640x16xf32, #tpu.memory_space<vmem>>) target(%dma_start3A_27 : memref<640x16xf32, #tpu.memory_space<vmem_shared>>) target_semaphore(%run_scoped3A : memref<!tpu.dma_semaphore, #tpu.memory_space<semaphore_mem>>)
      %dma_wait3A = arith.constant 0 : i32
      %dma_wait3A_28 = tpu.memref_slice %arg7[%mul3A_13, %dma_wait3A] : memref<10240x16xf32, #tpu.memory_space<vmem_shared>> -> memref<640x16xf32, #tpu.memory_space<vmem_shared>>
      %dma_wait3A_29 = arith.constant 0 : i32
      %dma_wait3A_30 = tpu.memref_slice %arg7[%mul3A_13, %dma_wait3A_29] : memref<10240x16xf32, #tpu.memory_space<vmem_shared>> -> memref<640x16xf32, #tpu.memory_space<vmem_shared>>
      tpu.wait_dma2 semaphore(%run_scoped3A : memref<!tpu.dma_semaphore, #tpu.memory_space<semaphore_mem>>) src(%arg6 : memref<640x16xf32, #tpu.memory_space<vmem>>) dst(%dma_wait3A_30 : memref<640x16xf32, #tpu.memory_space<vmem_shared>>)
      tpu.yield
    }) : () -> ()
    %barrier3A = arith.constant 0 : index
    tpu.barrier barrier_id(%barrier3A)
    "tpu.region"() ({
      %run_scoped3A = tpu.sem_alloc : memref<!tpu.dma_semaphore, #tpu.memory_space<semaphore_mem>>
      %dma_start3A = arith.constant 0 : i32
      %dma_start3A_25 = arith.constant 0 : i32
      %dma_start3A_26 = tpu.memref_slice %arg2[%add3A, %dma_start3A, %dma_start3A_25] : memref<32x125x80xi32, #tpu.memory_space<hbm>> -> memref<1x125x80xi32, #tpu.memory_space<hbm>>
      %dma_start3A_27 = tpu.memref_squeeze %dma_start3A_26 : memref<1x125x80xi32, #tpu.memory_space<hbm>> -> memref<125x80xi32, #tpu.memory_space<hbm>>
      %dma_start3A_28 = arith.constant 0 : i32
      %dma_start3A_29 = arith.constant 0 : i32
      %dma_start3A_30 = tpu.memref_slice %arg2[%add3A, %dma_start3A_28, %dma_start3A_29] : memref<32x125x80xi32, #tpu.memory_space<hbm>> -> memref<1x125x80xi32, #tpu.memory_space<hbm>>
      %dma_start3A_31 = tpu.memref_squeeze %dma_start3A_30 : memref<1x125x80xi32, #tpu.memory_space<hbm>> -> memref<125x80xi32, #tpu.memory_space<hbm>>
      tpu.enqueue_dma source(%dma_start3A_31 : memref<125x80xi32, #tpu.memory_space<hbm>>) target(%arg4 : memref<125x80xi32, #tpu.memory_space<vmem>>) target_semaphore(%run_scoped3A : memref<!tpu.dma_semaphore, #tpu.memory_space<semaphore_mem>>)
      %dma_wait3A = arith.constant 0 : i32
      %dma_wait3A_32 = arith.constant 0 : i32
      %dma_wait3A_33 = tpu.memref_slice %arg2[%add3A, %dma_wait3A, %dma_wait3A_32] : memref<32x125x80xi32, #tpu.memory_space<hbm>> -> memref<1x125x80xi32, #tpu.memory_space<hbm>>
      %dma_wait3A_34 = tpu.memref_squeeze %dma_wait3A_33 : memref<1x125x80xi32, #tpu.memory_space<hbm>> -> memref<125x80xi32, #tpu.memory_space<hbm>>
      %dma_wait3A_35 = arith.constant 0 : i32
      %dma_wait3A_36 = arith.constant 0 : i32
      %dma_wait3A_37 = tpu.memref_slice %arg2[%add3A, %dma_wait3A_35, %dma_wait3A_36] : memref<32x125x80xi32, #tpu.memory_space<hbm>> -> memref<1x125x80xi32, #tpu.memory_space<hbm>>
      %dma_wait3A_38 = tpu.memref_squeeze %dma_wait3A_37 : memref<1x125x80xi32, #tpu.memory_space<hbm>> -> memref<125x80xi32, #tpu.memory_space<hbm>>
      tpu.wait_dma2 semaphore(%run_scoped3A : memref<!tpu.dma_semaphore, #tpu.memory_space<semaphore_mem>>) src(%dma_wait3A_38 : memref<125x80xi32, #tpu.memory_space<hbm>>) dst(%arg4 : memref<125x80xi32, #tpu.memory_space<vmem>>)
      tpu.yield
    }) : () -> ()
    %scan3A_14 = arith.constant 0 : i32
    %scan3A_15 = arith.constant 0 : i32
    %scan3A_16 = arith.constant 125 : i32
    %scan3A_17 = arith.addi %scan3A_15, %scan3A_16 : i32
    %scan3A_18 = arith.constant 1 : i32
    scf.for %scan3A_25 = %scan3A_15 to %scan3A_17 step %scan3A_18  : i32 {
      "tpu.region"() ({
        %run_scoped3A = tpu.sem_alloc : memref<!tpu.dma_semaphore, #tpu.memory_space<semaphore_mem>>
        %dma_start3A = arith.constant 0 : i32
        %dma_start3A_26 = tpu.memref_slice %arg4[%scan3A_25, %dma_start3A] : memref<125x80xi32, #tpu.memory_space<vmem>> -> memref<1x80xi32, #tpu.memory_space<vmem>>
        %dma_start3A_27 = tpu.memref_squeeze %dma_start3A_26 : memref<1x80xi32, #tpu.memory_space<vmem>> -> memref<80xi32, #tpu.memory_space<vmem>>
        %dma_start3A_28 = arith.constant 0 : i32
        %dma_start3A_29 = arith.constant 0 : i32
        %dma_start3A_30 = tpu.memref_slice %arg7[%dma_start3A_28, %dma_start3A_29] : memref<10240x16xf32, #tpu.memory_space<vmem_shared>> -> memref<10240x16xf32, #tpu.memory_space<vmem_shared>>
        tpu.enqueue_indirect_dma source(%arg5 : memref<80x16xf32, #tpu.memory_space<vmem>>) target(%dma_start3A_30 : memref<10240x16xf32, #tpu.memory_space<vmem_shared>>) offsets(%dma_start3A_27 : memref<80xi32, #tpu.memory_space<vmem>>) semaphore(%run_scoped3A : memref<!tpu.dma_semaphore, #tpu.memory_space<semaphore_mem>>) {add = true}
        %dma_wait3A = arith.constant 0 : i32
        %dma_wait3A_31 = tpu.memref_slice %arg4[%scan3A_25, %dma_wait3A] : memref<125x80xi32, #tpu.memory_space<vmem>> -> memref<1x80xi32, #tpu.memory_space<vmem>>
        %dma_wait3A_32 = tpu.memref_squeeze %dma_wait3A_31 : memref<1x80xi32, #tpu.memory_space<vmem>> -> memref<80xi32, #tpu.memory_space<vmem>>
        %dma_wait3A_33 = arith.constant 0 : i32
        %dma_wait3A_34 = arith.constant 0 : i32
        %dma_wait3A_35 = tpu.memref_slice %arg7[%dma_wait3A_33, %dma_wait3A_34] : memref<10240x16xf32, #tpu.memory_space<vmem_shared>> -> memref<10240x16xf32, #tpu.memory_space<vmem_shared>>
        tpu.wait_indirect_dma semaphore(%run_scoped3A : memref<!tpu.dma_semaphore, #tpu.memory_space<semaphore_mem>>) src(%arg5 : memref<80x16xf32, #tpu.memory_space<vmem>>) dst(%dma_wait3A_35 : memref<10240x16xf32, #tpu.memory_space<vmem_shared>>)
        tpu.yield
      }) : () -> ()
    }
    %scan3A_19 = arith.constant 125 : i32
    %barrier3A_20 = arith.constant 0 : index
    tpu.barrier barrier_id(%barrier3A_20)
    %mul3A_21 = arith.constant 640 : i32
    %mul3A_22 = arith.muli %arg1, %mul3A_21 : i32
    %mul3A_23 = arith.constant 640 : i32
    %mul3A_24 = arith.muli %arg1, %mul3A_23 : i32
    "tpu.region"() ({
      %run_scoped3A = tpu.sem_alloc : memref<!tpu.dma_semaphore, #tpu.memory_space<semaphore_mem>>
      %dma_start3A = arith.constant 0 : i32
      %dma_start3A_25 = tpu.memref_slice %arg3[%arg0, %mul3A_24, %dma_start3A] : memref<2x10240x16xf32, #tpu.memory_space<hbm>> -> memref<1x640x16xf32, #tpu.memory_space<hbm>>
      %dma_start3A_26 = tpu.memref_squeeze %dma_start3A_25 : memref<1x640x16xf32, #tpu.memory_space<hbm>> -> memref<640x16xf32, #tpu.memory_space<hbm>>
      %dma_start3A_27 = arith.constant 0 : i32
      %dma_start3A_28 = tpu.memref_slice %arg7[%mul3A_22, %dma_start3A_27] : memref<10240x16xf32, #tpu.memory_space<vmem_shared>> -> memref<640x16xf32, #tpu.memory_space<vmem_shared>>
      tpu.enqueue_dma source(%dma_start3A_28 : memref<640x16xf32, #tpu.memory_space<vmem_shared>>) target(%dma_start3A_26 : memref<640x16xf32, #tpu.memory_space<hbm>>) target_semaphore(%run_scoped3A : memref<!tpu.dma_semaphore, #tpu.memory_space<semaphore_mem>>)
      %dma_wait3A = arith.constant 0 : i32
      %dma_wait3A_29 = tpu.memref_slice %arg3[%arg0, %mul3A_24, %dma_wait3A] : memref<2x10240x16xf32, #tpu.memory_space<hbm>> -> memref<1x640x16xf32, #tpu.memory_space<hbm>>
      %dma_wait3A_30 = tpu.memref_squeeze %dma_wait3A_29 : memref<1x640x16xf32, #tpu.memory_space<hbm>> -> memref<640x16xf32, #tpu.memory_space<hbm>>
      %dma_wait3A_31 = arith.constant 0 : i32
      %dma_wait3A_32 = tpu.memref_slice %arg7[%mul3A_22, %dma_wait3A_31] : memref<10240x16xf32, #tpu.memory_space<vmem_shared>> -> memref<640x16xf32, #tpu.memory_space<vmem_shared>>
      tpu.wait_dma2 semaphore(%run_scoped3A : memref<!tpu.dma_semaphore, #tpu.memory_space<semaphore_mem>>) src(%dma_wait3A_32 : memref<640x16xf32, #tpu.memory_space<vmem_shared>>) dst(%dma_wait3A_30 : memref<640x16xf32, #tpu.memory_space<hbm>>)
      tpu.yield
    }) : () -> ()
    return
  }
}

#map = affine_map<(d0, d1) -> (0, 0)>
#map1 = affine_map<(d0, d1) -> (0, 0, 0)>
module attributes {stable_mosaic.version = 14 : i64} {
  func.func @k(%arg0: i32, %arg1: i32, %arg2: memref<10000x64xf32, #tpu.memory_space<hbm>>, %arg3: memref<32x125x80xi32, #tpu.memory_space<hbm>>, %arg4: memref<32x125x80xi32, #tpu.memory_space<hbm>>, %arg5: memref<2x10240x64xf32, #tpu.memory_space<hbm>>, %arg6: memref<125x80xi32, #tpu.memory_space<vmem>>, %arg7: memref<125x80xi32, #tpu.memory_space<vmem>>, %arg8: memref<80x64xf32, #tpu.memory_space<vmem>>, %arg9: memref<640x64xf32, #tpu.memory_space<vmem>>, %arg10: memref<10240x64xf32, #tpu.memory_space<vmem_shared>>, %arg11: memref<!tpu.dma_semaphore, #tpu.memory_space<semaphore_mem>>) attributes {dimension_semantics = [#tpu.dimension_semantics<core_parallel>, #tpu.dimension_semantics<subcore_parallel>], iteration_bounds = array<i64: 2, 16>, scalar_prefetch = 0 : i64, scratch_operands = 6 : i64, tpu.core_type = #tpu.core_type<sc_vector_subcore>, window_params = [{transform_indices = #map}, {transform_indices = #map1}, {transform_indices = #map1}, {transform_indices = #map1}]} {
    %mul3A = arith.constant 16 : i32
    %mul3A_0 = arith.muli %arg0, %mul3A : i32
    %add3A = arith.addi %mul3A_0, %arg1 : i32
    %scan3A = arith.constant 0 : i32
    %scan3A_1 = arith.constant 0 : i32
    %scan3A_2 = arith.constant 640 : i32
    %scan3A_3 = arith.addi %scan3A_1, %scan3A_2 : i32
    %scan3A_4 = arith.constant 1 : i32
    scf.for %scan3A_19 = %scan3A_1 to %scan3A_3 step %scan3A_4  : i32 {
      %broadcast_in_dim3A = arith.constant 0.000000e+00 : f32
      %broadcast_in_dim3A_20 = vector.broadcast %broadcast_in_dim3A : f32 to vector<16xf32>
      %swap3A = arith.index_cast %scan3A_19 : i32 to index
      %swap3A_21 = arith.constant 0 : index
      %swap3A_22 = tpu.vector_load %arg9[%swap3A, %swap3A_21] {strides = array<i32>} : memref<640x64xf32, #tpu.memory_space<vmem>>, vector<1x16xf32>,
      %swap3A_23 = vector.shape_cast %swap3A_22 : vector<1x16xf32> to vector<16xf32>
      %swap3A_24 = vector.shape_cast %broadcast_in_dim3A_20 : vector<16xf32> to vector<1x16xf32>
      tpu.vector_store %arg9[%swap3A, %swap3A_21], %swap3A_24 {strides = array<i32>} : memref<640x64xf32, #tpu.memory_space<vmem>>, vector<1x16xf32>,
      %broadcast_in_dim3A_25 = arith.constant 0.000000e+00 : f32
      %broadcast_in_dim3A_26 = vector.broadcast %broadcast_in_dim3A_25 : f32 to vector<16xf32>
      %swap3A_27 = arith.index_cast %scan3A_19 : i32 to index
      %swap3A_28 = arith.constant 16 : index
      %swap3A_29 = tpu.vector_load %arg9[%swap3A_27, %swap3A_28] {strides = array<i32>} : memref<640x64xf32, #tpu.memory_space<vmem>>, vector<1x16xf32>,
      %swap3A_30 = vector.shape_cast %swap3A_29 : vector<1x16xf32> to vector<16xf32>
      %swap3A_31 = vector.shape_cast %broadcast_in_dim3A_26 : vector<16xf32> to vector<1x16xf32>
      tpu.vector_store %arg9[%swap3A_27, %swap3A_28], %swap3A_31 {strides = array<i32>} : memref<640x64xf32, #tpu.memory_space<vmem>>, vector<1x16xf32>,
      %broadcast_in_dim3A_32 = arith.constant 0.000000e+00 : f32
      %broadcast_in_dim3A_33 = vector.broadcast %broadcast_in_dim3A_32 : f32 to vector<16xf32>
      %swap3A_34 = arith.index_cast %scan3A_19 : i32 to index
      %swap3A_35 = arith.constant 32 : index
      %swap3A_36 = tpu.vector_load %arg9[%swap3A_34, %swap3A_35] {strides = array<i32>} : memref<640x64xf32, #tpu.memory_space<vmem>>, vector<1x16xf32>,
      %swap3A_37 = vector.shape_cast %swap3A_36 : vector<1x16xf32> to vector<16xf32>
      %swap3A_38 = vector.shape_cast %broadcast_in_dim3A_33 : vector<16xf32> to vector<1x16xf32>
      tpu.vector_store %arg9[%swap3A_34, %swap3A_35], %swap3A_38 {strides = array<i32>} : memref<640x64xf32, #tpu.memory_space<vmem>>, vector<1x16xf32>,
      %broadcast_in_dim3A_39 = arith.constant 0.000000e+00 : f32
      %broadcast_in_dim3A_40 = vector.broadcast %broadcast_in_dim3A_39 : f32 to vector<16xf32>
      %swap3A_41 = arith.index_cast %scan3A_19 : i32 to index
      %swap3A_42 = arith.constant 48 : index
      %swap3A_43 = tpu.vector_load %arg9[%swap3A_41, %swap3A_42] {strides = array<i32>} : memref<640x64xf32, #tpu.memory_space<vmem>>, vector<1x16xf32>,
      %swap3A_44 = vector.shape_cast %swap3A_43 : vector<1x16xf32> to vector<16xf32>
      %swap3A_45 = vector.shape_cast %broadcast_in_dim3A_40 : vector<16xf32> to vector<1x16xf32>
      tpu.vector_store %arg9[%swap3A_41, %swap3A_42], %swap3A_45 {strides = array<i32>} : memref<640x64xf32, #tpu.memory_space<vmem>>, vector<1x16xf32>,
    }
    %scan3A_5 = arith.constant 640 : i32
    %mul3A_6 = arith.constant 640 : i32
    %mul3A_7 = arith.muli %arg1, %mul3A_6 : i32
    "tpu.region"() ({
      %run_scoped3A = tpu.sem_alloc : memref<!tpu.dma_semaphore, #tpu.memory_space<semaphore_mem>>
      %dma_start3A = arith.constant 0 : i32
      %dma_start3A_19 = tpu.memref_slice %arg10[%mul3A_7, %dma_start3A] : memref<10240x64xf32, #tpu.memory_space<vmem_shared>> -> memref<640x64xf32, #tpu.memory_space<vmem_shared>>
      %dma_start3A_20 = arith.constant 0 : i32
      %dma_start3A_21 = tpu.memref_slice %arg10[%mul3A_7, %dma_start3A_20] : memref<10240x64xf32, #tpu.memory_space<vmem_shared>> -> memref<640x64xf32, #tpu.memory_space<vmem_shared>>
      tpu.enqueue_dma source(%arg9 : memref<640x64xf32, #tpu.memory_space<vmem>>) target(%dma_start3A_21 : memref<640x64xf32, #tpu.memory_space<vmem_shared>>) target_semaphore(%run_scoped3A : memref<!tpu.dma_semaphore, #tpu.memory_space<semaphore_mem>>)
      %dma_wait3A = arith.constant 0 : i32
      %dma_wait3A_22 = tpu.memref_slice %arg10[%mul3A_7, %dma_wait3A] : memref<10240x64xf32, #tpu.memory_space<vmem_shared>> -> memref<640x64xf32, #tpu.memory_space<vmem_shared>>
      %dma_wait3A_23 = arith.constant 0 : i32
      %dma_wait3A_24 = tpu.memref_slice %arg10[%mul3A_7, %dma_wait3A_23] : memref<10240x64xf32, #tpu.memory_space<vmem_shared>> -> memref<640x64xf32, #tpu.memory_space<vmem_shared>>
      tpu.wait_dma2 semaphore(%run_scoped3A : memref<!tpu.dma_semaphore, #tpu.memory_space<semaphore_mem>>) src(%arg9 : memref<640x64xf32, #tpu.memory_space<vmem>>) dst(%dma_wait3A_24 : memref<640x64xf32, #tpu.memory_space<vmem_shared>>)
      tpu.yield
    }) : () -> ()
    %barrier3A = arith.constant 0 : index
    tpu.barrier barrier_id(%barrier3A)
    "tpu.region"() ({
      %run_scoped3A = tpu.sem_alloc : memref<!tpu.dma_semaphore, #tpu.memory_space<semaphore_mem>>
      %dma_start3A = arith.constant 0 : i32
      %dma_start3A_19 = arith.constant 0 : i32
      %dma_start3A_20 = tpu.memref_slice %arg3[%add3A, %dma_start3A, %dma_start3A_19] : memref<32x125x80xi32, #tpu.memory_space<hbm>> -> memref<1x125x80xi32, #tpu.memory_space<hbm>>
      %dma_start3A_21 = tpu.memref_squeeze %dma_start3A_20 : memref<1x125x80xi32, #tpu.memory_space<hbm>> -> memref<125x80xi32, #tpu.memory_space<hbm>>
      %dma_start3A_22 = arith.constant 0 : i32
      %dma_start3A_23 = arith.constant 0 : i32
      %dma_start3A_24 = tpu.memref_slice %arg3[%add3A, %dma_start3A_22, %dma_start3A_23] : memref<32x125x80xi32, #tpu.memory_space<hbm>> -> memref<1x125x80xi32, #tpu.memory_space<hbm>>
      %dma_start3A_25 = tpu.memref_squeeze %dma_start3A_24 : memref<1x125x80xi32, #tpu.memory_space<hbm>> -> memref<125x80xi32, #tpu.memory_space<hbm>>
      tpu.enqueue_dma source(%dma_start3A_25 : memref<125x80xi32, #tpu.memory_space<hbm>>) target(%arg6 : memref<125x80xi32, #tpu.memory_space<vmem>>) target_semaphore(%run_scoped3A : memref<!tpu.dma_semaphore, #tpu.memory_space<semaphore_mem>>)
      %dma_wait3A = arith.constant 0 : i32
      %dma_wait3A_26 = arith.constant 0 : i32
      %dma_wait3A_27 = tpu.memref_slice %arg3[%add3A, %dma_wait3A, %dma_wait3A_26] : memref<32x125x80xi32, #tpu.memory_space<hbm>> -> memref<1x125x80xi32, #tpu.memory_space<hbm>>
      %dma_wait3A_28 = tpu.memref_squeeze %dma_wait3A_27 : memref<1x125x80xi32, #tpu.memory_space<hbm>> -> memref<125x80xi32, #tpu.memory_space<hbm>>
      %dma_wait3A_29 = arith.constant 0 : i32
      %dma_wait3A_30 = arith.constant 0 : i32
      %dma_wait3A_31 = tpu.memref_slice %arg3[%add3A, %dma_wait3A_29, %dma_wait3A_30] : memref<32x125x80xi32, #tpu.memory_space<hbm>> -> memref<1x125x80xi32, #tpu.memory_space<hbm>>
      %dma_wait3A_32 = tpu.memref_squeeze %dma_wait3A_31 : memref<1x125x80xi32, #tpu.memory_space<hbm>> -> memref<125x80xi32, #tpu.memory_space<hbm>>
      tpu.wait_dma2 semaphore(%run_scoped3A : memref<!tpu.dma_semaphore, #tpu.memory_space<semaphore_mem>>) src(%dma_wait3A_32 : memref<125x80xi32, #tpu.memory_space<hbm>>) dst(%arg6 : memref<125x80xi32, #tpu.memory_space<vmem>>)
      tpu.yield
    }) : () -> ()
    "tpu.region"() ({
      %run_scoped3A = tpu.sem_alloc : memref<!tpu.dma_semaphore, #tpu.memory_space<semaphore_mem>>
      %dma_start3A = arith.constant 0 : i32
      %dma_start3A_19 = arith.constant 0 : i32
      %dma_start3A_20 = tpu.memref_slice %arg4[%add3A, %dma_start3A, %dma_start3A_19] : memref<32x125x80xi32, #tpu.memory_space<hbm>> -> memref<1x125x80xi32, #tpu.memory_space<hbm>>
      %dma_start3A_21 = tpu.memref_squeeze %dma_start3A_20 : memref<1x125x80xi32, #tpu.memory_space<hbm>> -> memref<125x80xi32, #tpu.memory_space<hbm>>
      %dma_start3A_22 = arith.constant 0 : i32
      %dma_start3A_23 = arith.constant 0 : i32
      %dma_start3A_24 = tpu.memref_slice %arg4[%add3A, %dma_start3A_22, %dma_start3A_23] : memref<32x125x80xi32, #tpu.memory_space<hbm>> -> memref<1x125x80xi32, #tpu.memory_space<hbm>>
      %dma_start3A_25 = tpu.memref_squeeze %dma_start3A_24 : memref<1x125x80xi32, #tpu.memory_space<hbm>> -> memref<125x80xi32, #tpu.memory_space<hbm>>
      tpu.enqueue_dma source(%dma_start3A_25 : memref<125x80xi32, #tpu.memory_space<hbm>>) target(%arg7 : memref<125x80xi32, #tpu.memory_space<vmem>>) target_semaphore(%run_scoped3A : memref<!tpu.dma_semaphore, #tpu.memory_space<semaphore_mem>>)
      %dma_wait3A = arith.constant 0 : i32
      %dma_wait3A_26 = arith.constant 0 : i32
      %dma_wait3A_27 = tpu.memref_slice %arg4[%add3A, %dma_wait3A, %dma_wait3A_26] : memref<32x125x80xi32, #tpu.memory_space<hbm>> -> memref<1x125x80xi32, #tpu.memory_space<hbm>>
      %dma_wait3A_28 = tpu.memref_squeeze %dma_wait3A_27 : memref<1x125x80xi32, #tpu.memory_space<hbm>> -> memref<125x80xi32, #tpu.memory_space<hbm>>
      %dma_wait3A_29 = arith.constant 0 : i32
      %dma_wait3A_30 = arith.constant 0 : i32
      %dma_wait3A_31 = tpu.memref_slice %arg4[%add3A, %dma_wait3A_29, %dma_wait3A_30] : memref<32x125x80xi32, #tpu.memory_space<hbm>> -> memref<1x125x80xi32, #tpu.memory_space<hbm>>
      %dma_wait3A_32 = tpu.memref_squeeze %dma_wait3A_31 : memref<1x125x80xi32, #tpu.memory_space<hbm>> -> memref<125x80xi32, #tpu.memory_space<hbm>>
      tpu.wait_dma2 semaphore(%run_scoped3A : memref<!tpu.dma_semaphore, #tpu.memory_space<semaphore_mem>>) src(%dma_wait3A_32 : memref<125x80xi32, #tpu.memory_space<hbm>>) dst(%arg7 : memref<125x80xi32, #tpu.memory_space<vmem>>)
      tpu.yield
    }) : () -> ()
    %scan3A_8 = arith.constant 0 : i32
    %scan3A_9 = arith.constant 0 : i32
    %scan3A_10 = arith.constant 125 : i32
    %scan3A_11 = arith.addi %scan3A_9, %scan3A_10 : i32
    %scan3A_12 = arith.constant 1 : i32
    scf.for %scan3A_19 = %scan3A_9 to %scan3A_11 step %scan3A_12  : i32 {
      %dma_start3A = arith.constant 0 : i32
      %dma_start3A_20 = tpu.memref_slice %arg6[%scan3A_19, %dma_start3A] : memref<125x80xi32, #tpu.memory_space<vmem>> -> memref<1x80xi32, #tpu.memory_space<vmem>>
      %dma_start3A_21 = tpu.memref_squeeze %dma_start3A_20 : memref<1x80xi32, #tpu.memory_space<vmem>> -> memref<80xi32, #tpu.memory_space<vmem>>
      %dma_start3A_22 = arith.constant 0 : i32
      %dma_start3A_23 = arith.constant 0 : i32
      %dma_start3A_24 = tpu.memref_slice %arg2[%dma_start3A_22, %dma_start3A_23] : memref<10000x64xf32, #tpu.memory_space<hbm>> -> memref<10000x64xf32, #tpu.memory_space<hbm>>
      tpu.enqueue_indirect_dma source(%dma_start3A_24 : memref<10000x64xf32, #tpu.memory_space<hbm>>) target(%arg8 : memref<80x64xf32, #tpu.memory_space<vmem>>) offsets(%dma_start3A_21 : memref<80xi32, #tpu.memory_space<vmem>>) semaphore(%arg11 : memref<!tpu.dma_semaphore, #tpu.memory_space<semaphore_mem>>)
      %dma_wait3A = arith.constant 0 : i32
      %dma_wait3A_25 = tpu.memref_slice %arg6[%scan3A_19, %dma_wait3A] : memref<125x80xi32, #tpu.memory_space<vmem>> -> memref<1x80xi32, #tpu.memory_space<vmem>>
      %dma_wait3A_26 = tpu.memref_squeeze %dma_wait3A_25 : memref<1x80xi32, #tpu.memory_space<vmem>> -> memref<80xi32, #tpu.memory_space<vmem>>
      %dma_wait3A_27 = arith.constant 0 : i32
      %dma_wait3A_28 = arith.constant 0 : i32
      %dma_wait3A_29 = tpu.memref_slice %arg2[%dma_wait3A_27, %dma_wait3A_28] : memref<10000x64xf32, #tpu.memory_space<hbm>> -> memref<10000x64xf32, #tpu.memory_space<hbm>>
      tpu.wait_indirect_dma semaphore(%arg11 : memref<!tpu.dma_semaphore, #tpu.memory_space<semaphore_mem>>) src(%dma_wait3A_29 : memref<10000x64xf32, #tpu.memory_space<hbm>>) dst(%arg8 : memref<80x64xf32, #tpu.memory_space<vmem>>)
      "tpu.region"() ({
        %run_scoped3A = tpu.sem_alloc : memref<!tpu.dma_semaphore, #tpu.memory_space<semaphore_mem>>
        %dma_start3A_30 = arith.constant 0 : i32
        %dma_start3A_31 = tpu.memref_slice %arg7[%scan3A_19, %dma_start3A_30] : memref<125x80xi32, #tpu.memory_space<vmem>> -> memref<1x80xi32, #tpu.memory_space<vmem>>
        %dma_start3A_32 = tpu.memref_squeeze %dma_start3A_31 : memref<1x80xi32, #tpu.memory_space<vmem>> -> memref<80xi32, #tpu.memory_space<vmem>>
        %dma_start3A_33 = arith.constant 0 : i32
        %dma_start3A_34 = arith.constant 0 : i32
        %dma_start3A_35 = tpu.memref_slice %arg10[%dma_start3A_33, %dma_start3A_34] : memref<10240x64xf32, #tpu.memory_space<vmem_shared>> -> memref<10240x64xf32, #tpu.memory_space<vmem_shared>>
        tpu.enqueue_indirect_dma source(%arg8 : memref<80x64xf32, #tpu.memory_space<vmem>>) target(%dma_start3A_35 : memref<10240x64xf32, #tpu.memory_space<vmem_shared>>) offsets(%dma_start3A_32 : memref<80xi32, #tpu.memory_space<vmem>>) semaphore(%run_scoped3A : memref<!tpu.dma_semaphore, #tpu.memory_space<semaphore_mem>>) {add = true}
        %dma_wait3A_36 = arith.constant 0 : i32
        %dma_wait3A_37 = tpu.memref_slice %arg7[%scan3A_19, %dma_wait3A_36] : memref<125x80xi32, #tpu.memory_space<vmem>> -> memref<1x80xi32, #tpu.memory_space<vmem>>
        %dma_wait3A_38 = tpu.memref_squeeze %dma_wait3A_37 : memref<1x80xi32, #tpu.memory_space<vmem>> -> memref<80xi32, #tpu.memory_space<vmem>>
        %dma_wait3A_39 = arith.constant 0 : i32
        %dma_wait3A_40 = arith.constant 0 : i32
        %dma_wait3A_41 = tpu.memref_slice %arg10[%dma_wait3A_39, %dma_wait3A_40] : memref<10240x64xf32, #tpu.memory_space<vmem_shared>> -> memref<10240x64xf32, #tpu.memory_space<vmem_shared>>
        tpu.wait_indirect_dma semaphore(%run_scoped3A : memref<!tpu.dma_semaphore, #tpu.memory_space<semaphore_mem>>) src(%arg8 : memref<80x64xf32, #tpu.memory_space<vmem>>) dst(%dma_wait3A_41 : memref<10240x64xf32, #tpu.memory_space<vmem_shared>>)
        tpu.yield
      }) : () -> ()
    }
    %scan3A_13 = arith.constant 125 : i32
    %barrier3A_14 = arith.constant 0 : index
    tpu.barrier barrier_id(%barrier3A_14)
    %mul3A_15 = arith.constant 640 : i32
    %mul3A_16 = arith.muli %arg1, %mul3A_15 : i32
    %mul3A_17 = arith.constant 640 : i32
    %mul3A_18 = arith.muli %arg1, %mul3A_17 : i32
    "tpu.region"() ({
      %run_scoped3A = tpu.sem_alloc : memref<!tpu.dma_semaphore, #tpu.memory_space<semaphore_mem>>
      %dma_start3A = arith.constant 0 : i32
      %dma_start3A_19 = tpu.memref_slice %arg5[%arg0, %mul3A_18, %dma_start3A] : memref<2x10240x64xf32, #tpu.memory_space<hbm>> -> memref<1x640x64xf32, #tpu.memory_space<hbm>>
      %dma_start3A_20 = tpu.memref_squeeze %dma_start3A_19 : memref<1x640x64xf32, #tpu.memory_space<hbm>> -> memref<640x64xf32, #tpu.memory_space<hbm>>
      %dma_start3A_21 = arith.constant 0 : i32
      %dma_start3A_22 = tpu.memref_slice %arg10[%mul3A_16, %dma_start3A_21] : memref<10240x64xf32, #tpu.memory_space<vmem_shared>> -> memref<640x64xf32, #tpu.memory_space<vmem_shared>>
      tpu.enqueue_dma source(%dma_start3A_22 : memref<640x64xf32, #tpu.memory_space<vmem_shared>>) target(%dma_start3A_20 : memref<640x64xf32, #tpu.memory_space<hbm>>) target_semaphore(%run_scoped3A : memref<!tpu.dma_semaphore, #tpu.memory_space<semaphore_mem>>)
      %dma_wait3A = arith.constant 0 : i32
      %dma_wait3A_23 = tpu.memref_slice %arg5[%arg0, %mul3A_18, %dma_wait3A] : memref<2x10240x64xf32, #tpu.memory_space<hbm>> -> memref<1x640x64xf32, #tpu.memory_space<hbm>>
      %dma_wait3A_24 = tpu.memref_squeeze %dma_wait3A_23 : memref<1x640x64xf32, #tpu.memory_space<hbm>> -> memref<640x64xf32, #tpu.memory_space<hbm>>
      %dma_wait3A_25 = arith.constant 0 : i32
      %dma_wait3A_26 = tpu.memref_slice %arg10[%mul3A_16, %dma_wait3A_25] : memref<10240x64xf32, #tpu.memory_space<vmem_shared>> -> memref<640x64xf32, #tpu.memory_space<vmem_shared>>
      tpu.wait_dma2 semaphore(%run_scoped3A : memref<!tpu.dma_semaphore, #tpu.memory_space<semaphore_mem>>) src(%dma_wait3A_26 : memref<640x64xf32, #tpu.memory_space<vmem_shared>>) dst(%dma_wait3A_24 : memref<640x64xf32, #tpu.memory_space<hbm>>)
      tpu.yield
    }) : () -> ()
    return
  }
}

module attributes {stable_mosaic.version = 14 : i64} {
  func.func @body(%arg0: i32, %arg1: memref<1000x128xf32, #tpu.memory_space<vmem>>, %arg2: memref<2x1000x16xf32, #tpu.memory_space<vmem>>, %arg3: memref<128x64xf32, #tpu.memory_space<vmem>>, %arg4: memref<1x64xf32, #tpu.memory_space<vmem>>, %arg5: memref<64x64xf32, #tpu.memory_space<vmem>>, %arg6: memref<1000x64xf32, #tpu.memory_space<vmem>>) attributes {dimension_semantics = [#tpu.dimension_semantics<arbitrary>], iteration_bounds = array<i64: 10>, scalar_prefetch = 0 : i64, scratch_operands = 0 : i64, tpu.core_type = #tpu.core_type<tc>, window_params = [{transform_indices = @transform_0, window_bounds = array<i64: 1000, 128>}, {transform_indices = @transform_1, window_bounds = array<i64: 2, 1000, 16>}, {pipeline_mode = #tpu.pipeline_mode<synchronous>, transform_indices = @transform_2, window_bounds = array<i64: 128, 64>}, {pipeline_mode = #tpu.pipeline_mode<synchronous>, transform_indices = @transform_3, window_bounds = array<i64: 1, 64>}, {pipeline_mode = #tpu.pipeline_mode<synchronous>, transform_indices = @transform_4, window_bounds = array<i64: 64, 64>}, {transform_indices = @transform_5, window_bounds = array<i64: 1000, 64>}]} {
    %get3A = arith.constant 0 : index
    %get3A_0 = arith.constant 0 : index
    %get3A_1 = arith.constant 0 : index
    %get3A_2 = vector.load %arg2[%get3A, %get3A_0, %get3A_1] : memref<2x1000x16xf32, #tpu.memory_space<vmem>>, vector<1x1000x1xf32>
    %get3A_3 = vector.shape_cast %get3A_2 : vector<1x1000x1xf32> to vector<1000x1xf32>
    %get3A_4 = arith.constant 1 : index
    %get3A_5 = arith.constant 0 : index
    %get3A_6 = arith.constant 0 : index
    %get3A_7 = vector.load %arg2[%get3A_4, %get3A_5, %get3A_6] : memref<2x1000x16xf32, #tpu.memory_space<vmem>>, vector<1x1000x1xf32>
    %get3A_8 = vector.shape_cast %get3A_7 : vector<1x1000x1xf32> to vector<1000x1xf32>
    %add3A = arith.addf %get3A_3, %get3A_8 : vector<1000x1xf32>
    %add3A_9 = arith.constant 1.000000e+00 : f32
    %add3A_10 = vector.broadcast %add3A_9 : f32 to vector<1000x1xf32>
    %add3A_11 = arith.addf %add3A, %add3A_10 : vector<1000x1xf32>
    %rsqrt3A = math.rsqrt %add3A_11 : vector<1000x1xf32>
    %get3A_12 = arith.constant 0 : index
    %get3A_13 = arith.constant 0 : index
    %get3A_14 = vector.load %arg1[%get3A_12, %get3A_13] : memref<1000x128xf32, #tpu.memory_space<vmem>>, vector<1000x128xf32>
    %get3A_15 = arith.constant 0 : index
    %get3A_16 = arith.constant 0 : index
    %get3A_17 = vector.load %arg3[%get3A_15, %get3A_16] : memref<128x64xf32, #tpu.memory_space<vmem>>, vector<128x64xf32>
    %dot_general3A = arith.constant dense<0.000000e+00> : vector<1000x64xf32>
    %dot_general3A_18 = tpu.matmul %get3A_14, %get3A_17, %dot_general3A {dimension_numbers = #tpu.dot_dimension_numbers<[1], [0], [0], [1], [0, 0, 1, 1], [], []>, transpose_lhs_hint = false} : vector<1000x128xf32>, vector<128x64xf32>, vector<1000x64xf32> -> vector<1000x64xf32>
    %get3A_19 = arith.constant 0 : index
    %get3A_20 = arith.constant 0 : index
    %get3A_21 = vector.load %arg4[%get3A_19, %get3A_20] : memref<1x64xf32, #tpu.memory_space<vmem>>, vector<1x64xf32>
    %add3A_22 = vector.broadcast %get3A_21 : vector<1x64xf32> to vector<1000x64xf32>
    %add3A_23 = arith.addf %dot_general3A_18, %add3A_22 : vector<1000x64xf32>
    %get3A_24 = arith.constant 0 : index
    %get3A_25 = arith.constant 0 : index
    %get3A_26 = vector.load %arg5[%get3A_24, %get3A_25] : memref<64x64xf32, #tpu.memory_space<vmem>>, vector<64x64xf32>
    %dot_general3A_27 = arith.constant dense<0.000000e+00> : vector<1000x64xf32>
    %dot_general3A_28 = tpu.matmul %add3A_23, %get3A_26, %dot_general3A_27 {dimension_numbers = #tpu.dot_dimension_numbers<[1], [0], [0], [1], [0, 0, 1, 1], [], []>, transpose_lhs_hint = false} : vector<1000x64xf32>, vector<64x64xf32>, vector<1000x64xf32> -> vector<1000x64xf32>
    %mul3A = vector.broadcast %rsqrt3A : vector<1000x1xf32> to vector<1000x64xf32>
    %mul3A_29 = arith.mulf %dot_general3A_28, %mul3A : vector<1000x64xf32>
    %swap3A = arith.constant 0 : index
    %swap3A_30 = arith.constant 0 : index
    %swap3A_31 = vector.load %arg6[%swap3A, %swap3A_30] : memref<1000x64xf32, #tpu.memory_space<vmem>>, vector<1000x64xf32>
    tpu.vector_store %arg6[%swap3A, %swap3A_30], %mul3A_29 {strides = array<i32>} : memref<1000x64xf32, #tpu.memory_space<vmem>>, vector<1000x64xf32>,
    return
  }
  func.func @transform_0(%arg0: i32) -> (i32, i32) {
    %c0_i32 = arith.constant 0 : i32
    %c0_i32_0 = arith.constant 0 : i32
    return %arg0, %c0_i32 : i32, i32
  }
  func.func @transform_1(%arg0: i32) -> (i32, i32, i32) {
    %c0_i32 = arith.constant 0 : i32
    %c0_i32_0 = arith.constant 0 : i32
    %c0_i32_1 = arith.constant 0 : i32
    return %c0_i32, %arg0, %c0_i32_0 : i32, i32, i32
  }
  func.func @transform_2(%arg0: i32) -> (i32, i32) {
    %c0_i32 = arith.constant 0 : i32
    %c0_i32_0 = arith.constant 0 : i32
    %c0_i32_1 = arith.constant 0 : i32
    return %c0_i32, %c0_i32_0 : i32, i32
  }
  func.func @transform_3(%arg0: i32) -> (i32, i32) {
    %c0_i32 = arith.constant 0 : i32
    %c0_i32_0 = arith.constant 0 : i32
    %c0_i32_1 = arith.constant 0 : i32
    return %c0_i32, %c0_i32_0 : i32, i32
  }
  func.func @transform_4(%arg0: i32) -> (i32, i32) {
    %c0_i32 = arith.constant 0 : i32
    %c0_i32_0 = arith.constant 0 : i32
    %c0_i32_1 = arith.constant 0 : i32
    return %c0_i32, %c0_i32_0 : i32, i32
  }
  func.func @transform_5(%arg0: i32) -> (i32, i32) {
    %c0_i32 = arith.constant 0 : i32
    %c0_i32_0 = arith.constant 0 : i32
    return %arg0, %c0_i32 : i32, i32
  }
}

module attributes {stable_mosaic.version = 14 : i64} {
  func.func @body(%arg0: i32, %arg1: memref<2x1000x64xf32, #tpu.memory_space<vmem>>, %arg2: memref<1000x64xf32, #tpu.memory_space<vmem>>, %arg3: memref<2x1000x16xf32, #tpu.memory_space<vmem>>, %arg4: memref<1x64xf32, #tpu.memory_space<vmem>>, %arg5: memref<64x64xf32, #tpu.memory_space<vmem>>, %arg6: memref<1000x64xf32, #tpu.memory_space<vmem>>) attributes {dimension_semantics = [#tpu.dimension_semantics<arbitrary>], iteration_bounds = array<i64: 10>, scalar_prefetch = 0 : i64, scratch_operands = 0 : i64, tpu.core_type = #tpu.core_type<tc>, window_params = [{transform_indices = @transform_0, window_bounds = array<i64: 2, 1000, 64>}, {transform_indices = @transform_1, window_bounds = array<i64: 1000, 64>}, {transform_indices = @transform_2, window_bounds = array<i64: 2, 1000, 16>}, {pipeline_mode = #tpu.pipeline_mode<synchronous>, transform_indices = @transform_3, window_bounds = array<i64: 1, 64>}, {pipeline_mode = #tpu.pipeline_mode<synchronous>, transform_indices = @transform_4, window_bounds = array<i64: 64, 64>}, {transform_indices = @transform_5, window_bounds = array<i64: 1000, 64>}]} {
    %get3A = arith.constant 0 : index
    %get3A_0 = arith.constant 0 : index
    %get3A_1 = arith.constant 0 : index
    %get3A_2 = vector.load %arg3[%get3A, %get3A_0, %get3A_1] : memref<2x1000x16xf32, #tpu.memory_space<vmem>>, vector<1x1000x1xf32>
    %get3A_3 = vector.shape_cast %get3A_2 : vector<1x1000x1xf32> to vector<1000x1xf32>
    %get3A_4 = arith.constant 1 : index
    %get3A_5 = arith.constant 0 : index
    %get3A_6 = arith.constant 0 : index
    %get3A_7 = vector.load %arg3[%get3A_4, %get3A_5, %get3A_6] : memref<2x1000x16xf32, #tpu.memory_space<vmem>>, vector<1x1000x1xf32>
    %get3A_8 = vector.shape_cast %get3A_7 : vector<1x1000x1xf32> to vector<1000x1xf32>
    %add3A = arith.addf %get3A_3, %get3A_8 : vector<1000x1xf32>
    %add3A_9 = arith.constant 1.000000e+00 : f32
    %add3A_10 = vector.broadcast %add3A_9 : f32 to vector<1000x1xf32>
    %add3A_11 = arith.addf %add3A, %add3A_10 : vector<1000x1xf32>
    %rsqrt3A = math.rsqrt %add3A_11 : vector<1000x1xf32>
    %get3A_12 = arith.constant 0 : index
    %get3A_13 = arith.constant 0 : index
    %get3A_14 = arith.constant 0 : index
    %get3A_15 = vector.load %arg1[%get3A_12, %get3A_13, %get3A_14] : memref<2x1000x64xf32, #tpu.memory_space<vmem>>, vector<1x1000x64xf32>
    %get3A_16 = vector.shape_cast %get3A_15 : vector<1x1000x64xf32> to vector<1000x64xf32>
    %get3A_17 = arith.constant 1 : index
    %get3A_18 = arith.constant 0 : index
    %get3A_19 = arith.constant 0 : index
    %get3A_20 = vector.load %arg1[%get3A_17, %get3A_18, %get3A_19] : memref<2x1000x64xf32, #tpu.memory_space<vmem>>, vector<1x1000x64xf32>
    %get3A_21 = vector.shape_cast %get3A_20 : vector<1x1000x64xf32> to vector<1000x64xf32>
    %add3A_22 = arith.addf %get3A_16, %get3A_21 : vector<1000x64xf32>
    %get3A_23 = arith.constant 0 : index
    %get3A_24 = arith.constant 0 : index
    %get3A_25 = vector.load %arg2[%get3A_23, %get3A_24] : memref<1000x64xf32, #tpu.memory_space<vmem>>, vector<1000x64xf32>
    %add3A_26 = arith.addf %add3A_22, %get3A_25 : vector<1000x64xf32>
    %mul3A = vector.broadcast %rsqrt3A : vector<1000x1xf32> to vector<1000x64xf32>
    %mul3A_27 = arith.mulf %mul3A, %add3A_26 : vector<1000x64xf32>
    %get3A_28 = arith.constant 0 : index
    %get3A_29 = arith.constant 0 : index
    %get3A_30 = vector.load %arg4[%get3A_28, %get3A_29] : memref<1x64xf32, #tpu.memory_space<vmem>>, vector<1x64xf32>
    %add3A_31 = vector.broadcast %get3A_30 : vector<1x64xf32> to vector<1000x64xf32>
    %add3A_32 = arith.addf %mul3A_27, %add3A_31 : vector<1000x64xf32>
    %mul3A_33 = arith.constant 5.000000e-01 : f32
    %mul3A_34 = vector.broadcast %mul3A_33 : f32 to vector<1000x64xf32>
    %mul3A_35 = arith.mulf %mul3A_34, %add3A_32 : vector<1000x64xf32>
    %mul3A_36 = arith.constant 0.707106769 : f32
    %mul3A_37 = vector.broadcast %mul3A_36 : f32 to vector<1000x64xf32>
    %mul3A_38 = arith.mulf %add3A_32, %mul3A_37 : vector<1000x64xf32>
    %erf3A = math.erf %mul3A_38 : vector<1000x64xf32>
    %add3A_39 = arith.constant 1.000000e+00 : f32
    %add3A_40 = vector.broadcast %add3A_39 : f32 to vector<1000x64xf32>
    %add3A_41 = arith.addf %add3A_40, %erf3A : vector<1000x64xf32>
    %mul3A_42 = arith.mulf %mul3A_35, %add3A_41 : vector<1000x64xf32>
    %get3A_43 = arith.constant 0 : index
    %get3A_44 = arith.constant 0 : index
    %get3A_45 = vector.load %arg5[%get3A_43, %get3A_44] : memref<64x64xf32, #tpu.memory_space<vmem>>, vector<64x64xf32>
    %dot_general3A = arith.constant dense<0.000000e+00> : vector<1000x64xf32>
    %dot_general3A_46 = tpu.matmul %mul3A_42, %get3A_45, %dot_general3A {dimension_numbers = #tpu.dot_dimension_numbers<[1], [0], [0], [1], [0, 0, 1, 1], [], []>, transpose_lhs_hint = false} : vector<1000x64xf32>, vector<64x64xf32>, vector<1000x64xf32> -> vector<1000x64xf32>
    %mul3A_47 = vector.broadcast %rsqrt3A : vector<1000x1xf32> to vector<1000x64xf32>
    %mul3A_48 = arith.mulf %dot_general3A_46, %mul3A_47 : vector<1000x64xf32>
    %swap3A = arith.constant 0 : index
    %swap3A_49 = arith.constant 0 : index
    %swap3A_50 = vector.load %arg6[%swap3A, %swap3A_49] : memref<1000x64xf32, #tpu.memory_space<vmem>>, vector<1000x64xf32>
    tpu.vector_store %arg6[%swap3A, %swap3A_49], %mul3A_48 {strides = array<i32>} : memref<1000x64xf32, #tpu.memory_space<vmem>>, vector<1000x64xf32>,
    return
  }
  func.func @transform_0(%arg0: i32) -> (i32, i32, i32) {
    %c0_i32 = arith.constant 0 : i32
    %c0_i32_0 = arith.constant 0 : i32
    %c0_i32_1 = arith.constant 0 : i32
    return %c0_i32, %arg0, %c0_i32_0 : i32, i32, i32
  }
  func.func @transform_1(%arg0: i32) -> (i32, i32) {
    %c0_i32 = arith.constant 0 : i32
    %c0_i32_0 = arith.constant 0 : i32
    return %arg0, %c0_i32 : i32, i32
  }
  func.func @transform_2(%arg0: i32) -> (i32, i32, i32) {
    %c0_i32 = arith.constant 0 : i32
    %c0_i32_0 = arith.constant 0 : i32
    %c0_i32_1 = arith.constant 0 : i32
    return %c0_i32, %arg0, %c0_i32_0 : i32, i32, i32
  }
  func.func @transform_3(%arg0: i32) -> (i32, i32) {
    %c0_i32 = arith.constant 0 : i32
    %c0_i32_0 = arith.constant 0 : i32
    %c0_i32_1 = arith.constant 0 : i32
    return %c0_i32, %c0_i32_0 : i32, i32
  }
  func.func @transform_4(%arg0: i32) -> (i32, i32) {
    %c0_i32 = arith.constant 0 : i32
    %c0_i32_0 = arith.constant 0 : i32
    %c0_i32_1 = arith.constant 0 : i32
    return %c0_i32, %c0_i32_0 : i32, i32
  }
  func.func @transform_5(%arg0: i32) -> (i32, i32) {
    %c0_i32 = arith.constant 0 : i32
    %c0_i32_0 = arith.constant 0 : i32
    return %arg0, %c0_i32 : i32, i32
  }
}

module attributes {stable_mosaic.version = 14 : i64} {
  func.func @body(%arg0: i32, %arg1: memref<2x1000x64xf32, #tpu.memory_space<vmem>>, %arg2: memref<1000x64xf32, #tpu.memory_space<vmem>>, %arg3: memref<2x1000x16xf32, #tpu.memory_space<vmem>>, %arg4: memref<1x64xf32, #tpu.memory_space<vmem>>, %arg5: memref<1x64xf32, #tpu.memory_space<vmem>>, %arg6: memref<4x64xf32, #tpu.memory_space<vmem>>, %arg7: memref<4x64xf32, #tpu.memory_space<vmem>>, %arg8: memref<1x4xf32, #tpu.memory_space<vmem>>, %arg9: memref<1x64xf32, #tpu.memory_space<vmem>>, %arg10: memref<1x64xf32, #tpu.memory_space<vmem>>, %arg11: memref<1x64xf32, #tpu.memory_space<vmem>>, %arg12: memref<256x64xf32, #tpu.memory_space<vmem>>, %arg13: memref<64x64xf32, #tpu.memory_space<vmem>>, %arg14: memref<1x64xf32, #tpu.memory_space<vmem>>, %arg15: memref<1x64xf32, #tpu.memory_space<vmem>>, %arg16: memref<1x64xf32, #tpu.memory_space<vmem>>, %arg17: memref<64x128xf32, #tpu.memory_space<vmem>>, %arg18: memref<1x128xf32, #tpu.memory_space<vmem>>, %arg19: memref<128x64xf32, #tpu.memory_space<vmem>>, %arg20: memref<1x64xf32, #tpu.memory_space<vmem>>, %arg21: memref<1x1xf32, #tpu.memory_space<vmem>>, %arg22: memref<64x40xf32, #tpu.memory_space<vmem>>, %arg23: memref<1x40xf32, #tpu.memory_space<vmem>>, %arg24: memref<1000x40xf32, #tpu.memory_space<vmem>>) attributes {dimension_semantics = [#tpu.dimension_semantics<arbitrary>], iteration_bounds = array<i64: 10>, scalar_prefetch = 0 : i64, scratch_operands = 0 : i64, tpu.core_type = #tpu.core_type<tc>, window_params = [{transform_indices = @transform_0, window_bounds = array<i64: 2, 1000, 64>}, {transform_indices = @transform_1, window_bounds = array<i64: 1000, 64>}, {transform_indices = @transform_2, window_bounds = array<i64: 2, 1000, 16>}, {pipeline_mode = #tpu.pipeline_mode<synchronous>, transform_indices = @transform_3, window_bounds = array<i64: 1, 64>}, {pipeline_mode = #tpu.pipeline_mode<synchronous>, transform_indices = @transform_4, window_bounds = array<i64: 1, 64>}, {pipeline_mode = #tpu.pipeline_mode<synchronous>, transform_indices = @transform_5, window_bounds = array<i64: 4, 64>}, {pipeline_mode = #tpu.pipeline_mode<synchronous>, transform_indices = @transform_6, window_bounds = array<i64: 4, 64>}, {pipeline_mode = #tpu.pipeline_mode<synchronous>, transform_indices = @transform_7, window_bounds = array<i64: 1, 4>}, {pipeline_mode = #tpu.pipeline_mode<synchronous>, transform_indices = @transform_8, window_bounds = array<i64: 1, 64>}, {pipeline_mode = #tpu.pipeline_mode<synchronous>, transform_indices = @transform_9, window_bounds = array<i64: 1, 64>}, {pipeline_mode = #tpu.pipeline_mode<synchronous>, transform_indices = @transform_10, window_bounds = array<i64: 1, 64>}, {pipeline_mode = #tpu.pipeline_mode<synchronous>, transform_indices = @transform_11, window_bounds = array<i64: 256, 64>}, {pipeline_mode = #tpu.pipeline_mode<synchronous>, transform_indices = @transform_12, window_bounds = array<i64: 64, 64>}, {pipeline_mode = #tpu.pipeline_mode<synchronous>, transform_indices = @transform_13, window_bounds = array<i64: 1, 64>}, {pipeline_mode = #tpu.pipeline_mode<synchronous>, transform_indices = @transform_14, window_bounds = array<i64: 1, 64>}, {pipeline_mode = #tpu.pipeline_mode<synchronous>, transform_indices = @transform_15, window_bounds = array<i64: 1, 64>}, {pipeline_mode = #tpu.pipeline_mode<synchronous>, transform_indices = @transform_16, window_bounds = array<i64: 64, 128>}, {pipeline_mode = #tpu.pipeline_mode<synchronous>, transform_indices = @transform_17, window_bounds = array<i64: 1, 128>}, {pipeline_mode = #tpu.pipeline_mode<synchronous>, transform_indices = @transform_18, window_bounds = array<i64: 128, 64>}, {pipeline_mode = #tpu.pipeline_mode<synchronous>, transform_indices = @transform_19, window_bounds = array<i64: 1, 64>}, {pipeline_mode = #tpu.pipeline_mode<synchronous>, transform_indices = @transform_20, window_bounds = array<i64: 1, 1>}, {pipeline_mode = #tpu.pipeline_mode<synchronous>, transform_indices = @transform_21, window_bounds = array<i64: 64, 40>}, {pipeline_mode = #tpu.pipeline_mode<synchronous>, transform_indices = @transform_22, window_bounds = array<i64: 1, 40>}, {transform_indices = @transform_23, window_bounds = array<i64: 1000, 40>}]} {
    %get3A = arith.constant 0 : index
    %get3A_0 = arith.constant 0 : index
    %get3A_1 = arith.constant 0 : index
    %get3A_2 = vector.load %arg3[%get3A, %get3A_0, %get3A_1] : memref<2x1000x16xf32, #tpu.memory_space<vmem>>, vector<1x1000x1xf32>
    %get3A_3 = vector.shape_cast %get3A_2 : vector<1x1000x1xf32> to vector<1000x1xf32>
    %get3A_4 = arith.constant 1 : index
    %get3A_5 = arith.constant 0 : index
    %get3A_6 = arith.constant 0 : index
    %get3A_7 = vector.load %arg3[%get3A_4, %get3A_5, %get3A_6] : memref<2x1000x16xf32, #tpu.memory_space<vmem>>, vector<1x1000x1xf32>
    %get3A_8 = vector.shape_cast %get3A_7 : vector<1x1000x1xf32> to vector<1000x1xf32>
    %add3A = arith.addf %get3A_3, %get3A_8 : vector<1000x1xf32>
    %add3A_9 = arith.constant 1.000000e+00 : f32
    %add3A_10 = vector.broadcast %add3A_9 : f32 to vector<1000x1xf32>
    %add3A_11 = arith.addf %add3A, %add3A_10 : vector<1000x1xf32>
    %rsqrt3A = math.rsqrt %add3A_11 : vector<1000x1xf32>
    %get3A_12 = arith.constant 0 : index
    %get3A_13 = arith.constant 0 : index
    %get3A_14 = arith.constant 0 : index
    %get3A_15 = vector.load %arg1[%get3A_12, %get3A_13, %get3A_14] : memref<2x1000x64xf32, #tpu.memory_space<vmem>>, vector<1x1000x64xf32>
    %get3A_16 = vector.shape_cast %get3A_15 : vector<1x1000x64xf32> to vector<1000x64xf32>
    %get3A_17 = arith.constant 1 : index
    %get3A_18 = arith.constant 0 : index
    %get3A_19 = arith.constant 0 : index
    %get3A_20 = vector.load %arg1[%get3A_17, %get3A_18, %get3A_19] : memref<2x1000x64xf32, #tpu.memory_space<vmem>>, vector<1x1000x64xf32>
    %get3A_21 = vector.shape_cast %get3A_20 : vector<1x1000x64xf32> to vector<1000x64xf32>
    %add3A_22 = arith.addf %get3A_16, %get3A_21 : vector<1000x64xf32>
    %get3A_23 = arith.constant 0 : index
    %get3A_24 = arith.constant 0 : index
    %get3A_25 = vector.load %arg2[%get3A_23, %get3A_24] : memref<1000x64xf32, #tpu.memory_space<vmem>>, vector<1000x64xf32>
    %add3A_26 = arith.addf %add3A_22, %get3A_25 : vector<1000x64xf32>
    %mul3A = vector.broadcast %rsqrt3A : vector<1000x1xf32> to vector<1000x64xf32>
    %mul3A_27 = arith.mulf %mul3A, %add3A_26 : vector<1000x64xf32>
    %get3A_28 = arith.constant 0 : index
    %get3A_29 = arith.constant 0 : index
    %get3A_30 = vector.load %arg4[%get3A_28, %get3A_29] : memref<1x64xf32, #tpu.memory_space<vmem>>, vector<1x64xf32>
    %add3A_31 = vector.broadcast %get3A_30 : vector<1x64xf32> to vector<1000x64xf32>
    %add3A_32 = arith.addf %mul3A_27, %add3A_31 : vector<1000x64xf32>
    %reduce_sum3A = arith.constant dense<0.000000e+00> : vector<1000xf32>
    %reduce_sum3A_33 = vector.multi_reduction <add>, %add3A_32, %reduce_sum3A [1] : vector<1000x64xf32> to vector<1000xf32>
    %broadcast_in_dim3A = vector.shape_cast %reduce_sum3A_33 : vector<1000xf32> to vector<1000x1xf32>
    %div3A = arith.constant 6.400000e+01 : f32
    %div3A_34 = vector.broadcast %div3A : f32 to vector<1000x1xf32>
    %div3A_35 = arith.divf %broadcast_in_dim3A, %div3A_34 : vector<1000x1xf32>
    %sub3A = vector.broadcast %div3A_35 : vector<1000x1xf32> to vector<1000x64xf32>
    %sub3A_36 = arith.subf %add3A_32, %sub3A : vector<1000x64xf32>
    %mul3A_37 = arith.mulf %sub3A_36, %sub3A_36 : vector<1000x64xf32>
    %reduce_sum3A_38 = arith.constant dense<0.000000e+00> : vector<1000xf32>
    %reduce_sum3A_39 = vector.multi_reduction <add>, %mul3A_37, %reduce_sum3A_38 [1] : vector<1000x64xf32> to vector<1000xf32>
    %broadcast_in_dim3A_40 = vector.shape_cast %reduce_sum3A_39 : vector<1000xf32> to vector<1000x1xf32>
    %div3A_41 = arith.constant 6.400000e+01 : f32
    %div3A_42 = vector.broadcast %div3A_41 : f32 to vector<1000x1xf32>
    %div3A_43 = arith.divf %broadcast_in_dim3A_40, %div3A_42 : vector<1000x1xf32>
    %add3A_44 = arith.constant 9.99999974E-6 : f32
    %add3A_45 = vector.broadcast %add3A_44 : f32 to vector<1000x1xf32>
    %add3A_46 = arith.addf %div3A_43, %add3A_45 : vector<1000x1xf32>
    %rsqrt3A_47 = math.rsqrt %add3A_46 : vector<1000x1xf32>
    %mul3A_48 = vector.broadcast %rsqrt3A_47 : vector<1000x1xf32> to vector<1000x64xf32>
    %mul3A_49 = arith.mulf %sub3A_36, %mul3A_48 : vector<1000x64xf32>
    %mul3A_50 = arith.mulf %mul3A_49, %mul3A_49 : vector<1000x64xf32>
    %get3A_51 = arith.constant 0 : index
    %get3A_52 = arith.constant 0 : index
    %get3A_53 = vector.load %arg5[%get3A_51, %get3A_52] : memref<1x64xf32, #tpu.memory_space<vmem>>, vector<1x64xf32>
    %mul3A_54 = vector.broadcast %get3A_53 : vector<1x64xf32> to vector<1000x64xf32>
    %mul3A_55 = arith.mulf %mul3A_50, %mul3A_54 : vector<1000x64xf32>
    %add3A_56 = arith.constant 9.99999974E-6 : f32
    %add3A_57 = vector.broadcast %add3A_56 : f32 to vector<1000x64xf32>
    %add3A_58 = arith.addf %mul3A_55, %add3A_57 : vector<1000x64xf32>
    %rsqrt3A_59 = math.rsqrt %add3A_58 : vector<1000x64xf32>
    %mul3A_60 = arith.mulf %mul3A_49, %rsqrt3A_59 : vector<1000x64xf32>
    %get3A_61 = arith.constant 0 : index
    %get3A_62 = arith.constant 0 : index
    %get3A_63 = vector.load %arg6[%get3A_61, %get3A_62] : memref<4x64xf32, #tpu.memory_space<vmem>>, vector<1x64xf32>
    %mul3A_64 = vector.broadcast %get3A_63 : vector<1x64xf32> to vector<1000x64xf32>
    %mul3A_65 = arith.mulf %mul3A_60, %mul3A_64 : vector<1000x64xf32>
    %get3A_66 = arith.constant 0 : index
    %get3A_67 = arith.constant 0 : index
    %get3A_68 = vector.load %arg7[%get3A_66, %get3A_67] : memref<4x64xf32, #tpu.memory_space<vmem>>, vector<1x64xf32>
    %add3A_69 = vector.broadcast %get3A_68 : vector<1x64xf32> to vector<1000x64xf32>
    %add3A_70 = arith.addf %mul3A_65, %add3A_69 : vector<1000x64xf32>
    %get3A_71 = arith.constant 0 : index
    %get3A_72 = arith.constant 0 : index
    %get3A_73 = vector.load %arg8[%get3A_71, %get3A_72] : memref<1x4xf32, #tpu.memory_space<vmem>>, vector<1x1xf32>
    %reduce_max3A = arith.constant dense<0xFF800000> : vector<1000xf32>
    %reduce_max3A_74 = vector.multi_reduction <maximumf>, %add3A_70, %reduce_max3A [1] : vector<1000x64xf32> to vector<1000xf32>
    %broadcast_in_dim3A_75 = vector.shape_cast %reduce_max3A_74 : vector<1000xf32> to vector<1000x1xf32>
    %max3A = vector.broadcast %get3A_73 : vector<1x1xf32> to vector<1000x1xf32>
    %max3A_76 = arith.maximumf %broadcast_in_dim3A_75, %max3A : vector<1000x1xf32>
    %sub3A_77 = vector.broadcast %max3A_76 : vector<1000x1xf32> to vector<1000x64xf32>
    %sub3A_78 = arith.subf %add3A_70, %sub3A_77 : vector<1000x64xf32>
    %exp3A = math.exp %sub3A_78 : vector<1000x64xf32>
    %sub3A_79 = vector.broadcast %get3A_73 : vector<1x1xf32> to vector<1000x1xf32>
    %sub3A_80 = arith.subf %sub3A_79, %max3A_76 : vector<1000x1xf32>
    %exp3A_81 = math.exp %sub3A_80 : vector<1000x1xf32>
    %reduce_sum3A_82 = arith.constant dense<0.000000e+00> : vector<1000xf32>
    %reduce_sum3A_83 = vector.multi_reduction <add>, %exp3A, %reduce_sum3A_82 [1] : vector<1000x64xf32> to vector<1000xf32>
    %broadcast_in_dim3A_84 = vector.shape_cast %reduce_sum3A_83 : vector<1000xf32> to vector<1000x1xf32>
    %add3A_85 = arith.addf %broadcast_in_dim3A_84, %exp3A_81 : vector<1000x1xf32>
    %div3A_86 = arith.constant 1.000000e+00 : f32
    %div3A_87 = vector.broadcast %div3A_86 : f32 to vector<1000x1xf32>
    %div3A_88 = arith.divf %div3A_87, %add3A_85 : vector<1000x1xf32>
    %mul3A_89 = arith.mulf %exp3A_81, %div3A_88 : vector<1000x1xf32>
    %mul3A_90 = vector.broadcast %div3A_88 : vector<1000x1xf32> to vector<1000x64xf32>
    %mul3A_91 = arith.mulf %exp3A, %mul3A_90 : vector<1000x64xf32>
    %mul3A_92 = arith.mulf %mul3A_91, %mul3A_60 : vector<1000x64xf32>
    %sub3A_93 = arith.constant 1.000000e+00 : f32
    %sub3A_94 = vector.broadcast %sub3A_93 : f32 to vector<1000x1xf32>
    %sub3A_95 = arith.subf %sub3A_94, %mul3A_89 : vector<1000x1xf32>
    %get3A_96 = arith.constant 0 : index
    %get3A_97 = arith.constant 0 : index
    %get3A_98 = vector.load %arg9[%get3A_96, %get3A_97] : memref<1x64xf32, #tpu.memory_space<vmem>>, vector<1x16xf32>
    %mul3A_99 = vector.broadcast %sub3A_95 : vector<1000x1xf32> to vector<1000x16xf32>
    %mul3A_100 = vector.broadcast %get3A_98 : vector<1x16xf32> to vector<1000x16xf32>
    %mul3A_101 = arith.mulf %mul3A_99, %mul3A_100 : vector<1000x16xf32>
    %get3A_102 = arith.constant 0 : index
    %get3A_103 = arith.constant 0 : index
    %get3A_104 = vector.load %arg10[%get3A_102, %get3A_103] : memref<1x64xf32, #tpu.memory_space<vmem>>, vector<1x16xf32>
    %mul3A_105 = vector.broadcast %mul3A_89 : vector<1000x1xf32> to vector<1000x16xf32>
    %mul3A_106 = vector.broadcast %get3A_104 : vector<1x16xf32> to vector<1000x16xf32>
    %mul3A_107 = arith.mulf %mul3A_105, %mul3A_106 : vector<1000x16xf32>
    %add3A_108 = arith.addf %mul3A_101, %mul3A_107 : vector<1000x16xf32>
    %get3A_109 = arith.constant 1 : index
    %get3A_110 = arith.constant 0 : index
    %get3A_111 = vector.load %arg6[%get3A_109, %get3A_110] : memref<4x64xf32, #tpu.memory_space<vmem>>, vector<1x64xf32>
    %mul3A_112 = vector.broadcast %get3A_111 : vector<1x64xf32> to vector<1000x64xf32>
    %mul3A_113 = arith.mulf %mul3A_60, %mul3A_112 : vector<1000x64xf32>
    %get3A_114 = arith.constant 1 : index
    %get3A_115 = arith.constant 0 : index
    %get3A_116 = vector.load %arg7[%get3A_114, %get3A_115] : memref<4x64xf32, #tpu.memory_space<vmem>>, vector<1x64xf32>
    %add3A_117 = vector.broadcast %get3A_116 : vector<1x64xf32> to vector<1000x64xf32>
    %add3A_118 = arith.addf %mul3A_113, %add3A_117 : vector<1000x64xf32>
    %get3A_119 = arith.constant 0 : index
    %get3A_120 = arith.constant 1 : index
    %get3A_121 = vector.load %arg8[%get3A_119, %get3A_120] : memref<1x4xf32, #tpu.memory_space<vmem>>, vector<1x1xf32>
    %reduce_max3A_122 = arith.constant dense<0xFF800000> : vector<1000xf32>
    %reduce_max3A_123 = vector.multi_reduction <maximumf>, %add3A_118, %reduce_max3A_122 [1] : vector<1000x64xf32> to vector<1000xf32>
    %broadcast_in_dim3A_124 = vector.shape_cast %reduce_max3A_123 : vector<1000xf32> to vector<1000x1xf32>
    %max3A_125 = vector.broadcast %get3A_121 : vector<1x1xf32> to vector<1000x1xf32>
    %max3A_126 = arith.maximumf %broadcast_in_dim3A_124, %max3A_125 : vector<1000x1xf32>
    %sub3A_127 = vector.broadcast %max3A_126 : vector<1000x1xf32> to vector<1000x64xf32>
    %sub3A_128 = arith.subf %add3A_118, %sub3A_127 : vector<1000x64xf32>
    %exp3A_129 = math.exp %sub3A_128 : vector<1000x64xf32>
    %sub3A_130 = vector.broadcast %get3A_121 : vector<1x1xf32> to vector<1000x1xf32>
    %sub3A_131 = arith.subf %sub3A_130, %max3A_126 : vector<1000x1xf32>
    %exp3A_132 = math.exp %sub3A_131 : vector<1000x1xf32>
    %reduce_sum3A_133 = arith.constant dense<0.000000e+00> : vector<1000xf32>
    %reduce_sum3A_134 = vector.multi_reduction <add>, %exp3A_129, %reduce_sum3A_133 [1] : vector<1000x64xf32> to vector<1000xf32>
    %broadcast_in_dim3A_135 = vector.shape_cast %reduce_sum3A_134 : vector<1000xf32> to vector<1000x1xf32>
    %add3A_136 = arith.addf %broadcast_in_dim3A_135, %exp3A_132 : vector<1000x1xf32>
    %div3A_137 = arith.constant 1.000000e+00 : f32
    %div3A_138 = vector.broadcast %div3A_137 : f32 to vector<1000x1xf32>
    %div3A_139 = arith.divf %div3A_138, %add3A_136 : vector<1000x1xf32>
    %mul3A_140 = arith.mulf %exp3A_132, %div3A_139 : vector<1000x1xf32>
    %mul3A_141 = vector.broadcast %div3A_139 : vector<1000x1xf32> to vector<1000x64xf32>
    %mul3A_142 = arith.mulf %exp3A_129, %mul3A_141 : vector<1000x64xf32>
    %mul3A_143 = arith.mulf %mul3A_142, %mul3A_60 : vector<1000x64xf32>
    %sub3A_144 = arith.constant 1.000000e+00 : f32
    %sub3A_145 = vector.broadcast %sub3A_144 : f32 to vector<1000x1xf32>
    %sub3A_146 = arith.subf %sub3A_145, %mul3A_140 : vector<1000x1xf32>
    %get3A_147 = arith.constant 0 : index
    %get3A_148 = arith.constant 16 : index
    %get3A_149 = vector.load %arg9[%get3A_147, %get3A_148] : memref<1x64xf32, #tpu.memory_space<vmem>>, vector<1x16xf32>
    %mul3A_150 = vector.broadcast %sub3A_146 : vector<1000x1xf32> to vector<1000x16xf32>
    %mul3A_151 = vector.broadcast %get3A_149 : vector<1x16xf32> to vector<1000x16xf32>
    %mul3A_152 = arith.mulf %mul3A_150, %mul3A_151 : vector<1000x16xf32>
    %get3A_153 = arith.constant 0 : index
    %get3A_154 = arith.constant 16 : index
    %get3A_155 = vector.load %arg10[%get3A_153, %get3A_154] : memref<1x64xf32, #tpu.memory_space<vmem>>, vector<1x16xf32>
    %mul3A_156 = vector.broadcast %mul3A_140 : vector<1000x1xf32> to vector<1000x16xf32>
    %mul3A_157 = vector.broadcast %get3A_155 : vector<1x16xf32> to vector<1000x16xf32>
    %mul3A_158 = arith.mulf %mul3A_156, %mul3A_157 : vector<1000x16xf32>
    %add3A_159 = arith.addf %mul3A_152, %mul3A_158 : vector<1000x16xf32>
    %get3A_160 = arith.constant 2 : index
    %get3A_161 = arith.constant 0 : index
    %get3A_162 = vector.load %arg6[%get3A_160, %get3A_161] : memref<4x64xf32, #tpu.memory_space<vmem>>, vector<1x64xf32>
    %mul3A_163 = vector.broadcast %get3A_162 : vector<1x64xf32> to vector<1000x64xf32>
    %mul3A_164 = arith.mulf %mul3A_60, %mul3A_163 : vector<1000x64xf32>
    %get3A_165 = arith.constant 2 : index
    %get3A_166 = arith.constant 0 : index
    %get3A_167 = vector.load %arg7[%get3A_165, %get3A_166] : memref<4x64xf32, #tpu.memory_space<vmem>>, vector<1x64xf32>
    %add3A_168 = vector.broadcast %get3A_167 : vector<1x64xf32> to vector<1000x64xf32>
    %add3A_169 = arith.addf %mul3A_164, %add3A_168 : vector<1000x64xf32>
    %get3A_170 = arith.constant 0 : index
    %get3A_171 = arith.constant 2 : index
    %get3A_172 = vector.load %arg8[%get3A_170, %get3A_171] : memref<1x4xf32, #tpu.memory_space<vmem>>, vector<1x1xf32>
    %reduce_max3A_173 = arith.constant dense<0xFF800000> : vector<1000xf32>
    %reduce_max3A_174 = vector.multi_reduction <maximumf>, %add3A_169, %reduce_max3A_173 [1] : vector<1000x64xf32> to vector<1000xf32>
    %broadcast_in_dim3A_175 = vector.shape_cast %reduce_max3A_174 : vector<1000xf32> to vector<1000x1xf32>
    %max3A_176 = vector.broadcast %get3A_172 : vector<1x1xf32> to vector<1000x1xf32>
    %max3A_177 = arith.maximumf %broadcast_in_dim3A_175, %max3A_176 : vector<1000x1xf32>
    %sub3A_178 = vector.broadcast %max3A_177 : vector<1000x1xf32> to vector<1000x64xf32>
    %sub3A_179 = arith.subf %add3A_169, %sub3A_178 : vector<1000x64xf32>
    %exp3A_180 = math.exp %sub3A_179 : vector<1000x64xf32>
    %sub3A_181 = vector.broadcast %get3A_172 : vector<1x1xf32> to vector<1000x1xf32>
    %sub3A_182 = arith.subf %sub3A_181, %max3A_177 : vector<1000x1xf32>
    %exp3A_183 = math.exp %sub3A_182 : vector<1000x1xf32>
    %reduce_sum3A_184 = arith.constant dense<0.000000e+00> : vector<1000xf32>
    %reduce_sum3A_185 = vector.multi_reduction <add>, %exp3A_180, %reduce_sum3A_184 [1] : vector<1000x64xf32> to vector<1000xf32>
    %broadcast_in_dim3A_186 = vector.shape_cast %reduce_sum3A_185 : vector<1000xf32> to vector<1000x1xf32>
    %add3A_187 = arith.addf %broadcast_in_dim3A_186, %exp3A_183 : vector<1000x1xf32>
    %div3A_188 = arith.constant 1.000000e+00 : f32
    %div3A_189 = vector.broadcast %div3A_188 : f32 to vector<1000x1xf32>
    %div3A_190 = arith.divf %div3A_189, %add3A_187 : vector<1000x1xf32>
    %mul3A_191 = arith.mulf %exp3A_183, %div3A_190 : vector<1000x1xf32>
    %mul3A_192 = vector.broadcast %div3A_190 : vector<1000x1xf32> to vector<1000x64xf32>
    %mul3A_193 = arith.mulf %exp3A_180, %mul3A_192 : vector<1000x64xf32>
    %mul3A_194 = arith.mulf %mul3A_193, %mul3A_60 : vector<1000x64xf32>
    %sub3A_195 = arith.constant 1.000000e+00 : f32
    %sub3A_196 = vector.broadcast %sub3A_195 : f32 to vector<1000x1xf32>
    %sub3A_197 = arith.subf %sub3A_196, %mul3A_191 : vector<1000x1xf32>
    %get3A_198 = arith.constant 0 : index
    %get3A_199 = arith.constant 32 : index
    %get3A_200 = vector.load %arg9[%get3A_198, %get3A_199] : memref<1x64xf32, #tpu.memory_space<vmem>>, vector<1x16xf32>
    %mul3A_201 = vector.broadcast %sub3A_197 : vector<1000x1xf32> to vector<1000x16xf32>
    %mul3A_202 = vector.broadcast %get3A_200 : vector<1x16xf32> to vector<1000x16xf32>
    %mul3A_203 = arith.mulf %mul3A_201, %mul3A_202 : vector<1000x16xf32>
    %get3A_204 = arith.constant 0 : index
    %get3A_205 = arith.constant 32 : index
    %get3A_206 = vector.load %arg10[%get3A_204, %get3A_205] : memref<1x64xf32, #tpu.memory_space<vmem>>, vector<1x16xf32>
    %mul3A_207 = vector.broadcast %mul3A_191 : vector<1000x1xf32> to vector<1000x16xf32>
    %mul3A_208 = vector.broadcast %get3A_206 : vector<1x16xf32> to vector<1000x16xf32>
    %mul3A_209 = arith.mulf %mul3A_207, %mul3A_208 : vector<1000x16xf32>
    %add3A_210 = arith.addf %mul3A_203, %mul3A_209 : vector<1000x16xf32>
    %get3A_211 = arith.constant 3 : index
    %get3A_212 = arith.constant 0 : index
    %get3A_213 = vector.load %arg6[%get3A_211, %get3A_212] : memref<4x64xf32, #tpu.memory_space<vmem>>, vector<1x64xf32>
    %mul3A_214 = vector.broadcast %get3A_213 : vector<1x64xf32> to vector<1000x64xf32>
    %mul3A_215 = arith.mulf %mul3A_60, %mul3A_214 : vector<1000x64xf32>
    %get3A_216 = arith.constant 3 : index
    %get3A_217 = arith.constant 0 : index
    %get3A_218 = vector.load %arg7[%get3A_216, %get3A_217] : memref<4x64xf32, #tpu.memory_space<vmem>>, vector<1x64xf32>
    %add3A_219 = vector.broadcast %get3A_218 : vector<1x64xf32> to vector<1000x64xf32>
    %add3A_220 = arith.addf %mul3A_215, %add3A_219 : vector<1000x64xf32>
    %get3A_221 = arith.constant 0 : index
    %get3A_222 = arith.constant 3 : index
    %get3A_223 = vector.load %arg8[%get3A_221, %get3A_222] : memref<1x4xf32, #tpu.memory_space<vmem>>, vector<1x1xf32>
    %reduce_max3A_224 = arith.constant dense<0xFF800000> : vector<1000xf32>
    %reduce_max3A_225 = vector.multi_reduction <maximumf>, %add3A_220, %reduce_max3A_224 [1] : vector<1000x64xf32> to vector<1000xf32>
    %broadcast_in_dim3A_226 = vector.shape_cast %reduce_max3A_225 : vector<1000xf32> to vector<1000x1xf32>
    %max3A_227 = vector.broadcast %get3A_223 : vector<1x1xf32> to vector<1000x1xf32>
    %max3A_228 = arith.maximumf %broadcast_in_dim3A_226, %max3A_227 : vector<1000x1xf32>
    %sub3A_229 = vector.broadcast %max3A_228 : vector<1000x1xf32> to vector<1000x64xf32>
    %sub3A_230 = arith.subf %add3A_220, %sub3A_229 : vector<1000x64xf32>
    %exp3A_231 = math.exp %sub3A_230 : vector<1000x64xf32>
    %sub3A_232 = vector.broadcast %get3A_223 : vector<1x1xf32> to vector<1000x1xf32>
    %sub3A_233 = arith.subf %sub3A_232, %max3A_228 : vector<1000x1xf32>
    %exp3A_234 = math.exp %sub3A_233 : vector<1000x1xf32>
    %reduce_sum3A_235 = arith.constant dense<0.000000e+00> : vector<1000xf32>
    %reduce_sum3A_236 = vector.multi_reduction <add>, %exp3A_231, %reduce_sum3A_235 [1] : vector<1000x64xf32> to vector<1000xf32>
    %broadcast_in_dim3A_237 = vector.shape_cast %reduce_sum3A_236 : vector<1000xf32> to vector<1000x1xf32>
    %add3A_238 = arith.addf %broadcast_in_dim3A_237, %exp3A_234 : vector<1000x1xf32>
    %div3A_239 = arith.constant 1.000000e+00 : f32
    %div3A_240 = vector.broadcast %div3A_239 : f32 to vector<1000x1xf32>
    %div3A_241 = arith.divf %div3A_240, %add3A_238 : vector<1000x1xf32>
    %mul3A_242 = arith.mulf %exp3A_234, %div3A_241 : vector<1000x1xf32>
    %mul3A_243 = vector.broadcast %div3A_241 : vector<1000x1xf32> to vector<1000x64xf32>
    %mul3A_244 = arith.mulf %exp3A_231, %mul3A_243 : vector<1000x64xf32>
    %mul3A_245 = arith.mulf %mul3A_244, %mul3A_60 : vector<1000x64xf32>
    %sub3A_246 = arith.constant 1.000000e+00 : f32
    %sub3A_247 = vector.broadcast %sub3A_246 : f32 to vector<1000x1xf32>
    %sub3A_248 = arith.subf %sub3A_247, %mul3A_242 : vector<1000x1xf32>
    %get3A_249 = arith.constant 0 : index
    %get3A_250 = arith.constant 48 : index
    %get3A_251 = vector.load %arg9[%get3A_249, %get3A_250] : memref<1x64xf32, #tpu.memory_space<vmem>>, vector<1x16xf32>
    %mul3A_252 = vector.broadcast %sub3A_248 : vector<1000x1xf32> to vector<1000x16xf32>
    %mul3A_253 = vector.broadcast %get3A_251 : vector<1x16xf32> to vector<1000x16xf32>
    %mul3A_254 = arith.mulf %mul3A_252, %mul3A_253 : vector<1000x16xf32>
    %get3A_255 = arith.constant 0 : index
    %get3A_256 = arith.constant 48 : index
    %get3A_257 = vector.load %arg10[%get3A_255, %get3A_256] : memref<1x64xf32, #tpu.memory_space<vmem>>, vector<1x16xf32>
    %mul3A_258 = vector.broadcast %mul3A_242 : vector<1000x1xf32> to vector<1000x16xf32>
    %mul3A_259 = vector.broadcast %get3A_257 : vector<1x16xf32> to vector<1000x16xf32>
    %mul3A_260 = arith.mulf %mul3A_258, %mul3A_259 : vector<1000x16xf32>
    %add3A_261 = arith.addf %mul3A_254, %mul3A_260 : vector<1000x16xf32>
    %concatenate3A = tpu.concatenate %mul3A_92, %mul3A_143, %mul3A_194, %mul3A_245 in 1 : vector<1000x64xf32>, vector<1000x64xf32>, vector<1000x64xf32>, vector<1000x64xf32> -> vector<1000x256xf32>
    %get3A_262 = arith.constant 0 : index
    %get3A_263 = arith.constant 0 : index
    %get3A_264 = vector.load %arg12[%get3A_262, %get3A_263] : memref<256x64xf32, #tpu.memory_space<vmem>>, vector<256x64xf32>
    %dot_general3A = arith.constant dense<0.000000e+00> : vector<1000x64xf32>
    %dot_general3A_265 = tpu.matmul %concatenate3A, %get3A_264, %dot_general3A {dimension_numbers = #tpu.dot_dimension_numbers<[1], [0], [0], [1], [0, 0, 1, 1], [], []>, transpose_lhs_hint = false} : vector<1000x256xf32>, vector<256x64xf32>, vector<1000x64xf32> -> vector<1000x64xf32>
    %concatenate3A_266 = tpu.concatenate %add3A_108, %add3A_159, %add3A_210, %add3A_261 in 1 : vector<1000x16xf32>, vector<1000x16xf32>, vector<1000x16xf32>, vector<1000x16xf32> -> vector<1000x64xf32>
    %add3A_267 = arith.addf %dot_general3A_265, %concatenate3A_266 : vector<1000x64xf32>
    %get3A_268 = arith.constant 0 : index
    %get3A_269 = arith.constant 0 : index
    %get3A_270 = vector.load %arg13[%get3A_268, %get3A_269] : memref<64x64xf32, #tpu.memory_space<vmem>>, vector<64x64xf32>
    %dot_general3A_271 = arith.constant dense<0.000000e+00> : vector<1000x64xf32>
    %dot_general3A_272 = tpu.matmul %add3A_267, %get3A_270, %dot_general3A_271 {dimension_numbers = #tpu.dot_dimension_numbers<[1], [0], [0], [1], [0, 0, 1, 1], [], []>, transpose_lhs_hint = false} : vector<1000x64xf32>, vector<64x64xf32>, vector<1000x64xf32> -> vector<1000x64xf32>
    %get3A_273 = arith.constant 0 : index
    %get3A_274 = arith.constant 0 : index
    %get3A_275 = vector.load %arg14[%get3A_273, %get3A_274] : memref<1x64xf32, #tpu.memory_space<vmem>>, vector<1x64xf32>
    %add3A_276 = vector.broadcast %get3A_275 : vector<1x64xf32> to vector<1000x64xf32>
    %add3A_277 = arith.addf %dot_general3A_272, %add3A_276 : vector<1000x64xf32>
    %reduce_sum3A_278 = arith.constant dense<0.000000e+00> : vector<1000xf32>
    %reduce_sum3A_279 = vector.multi_reduction <add>, %add3A_277, %reduce_sum3A_278 [1] : vector<1000x64xf32> to vector<1000xf32>
    %broadcast_in_dim3A_280 = vector.shape_cast %reduce_sum3A_279 : vector<1000xf32> to vector<1000x1xf32>
    %div3A_281 = arith.constant 6.400000e+01 : f32
    %div3A_282 = vector.broadcast %div3A_281 : f32 to vector<1000x1xf32>
    %div3A_283 = arith.divf %broadcast_in_dim3A_280, %div3A_282 : vector<1000x1xf32>
    %sub3A_284 = vector.broadcast %div3A_283 : vector<1000x1xf32> to vector<1000x64xf32>
    %sub3A_285 = arith.subf %add3A_277, %sub3A_284 : vector<1000x64xf32>
    %mul3A_286 = arith.mulf %sub3A_285, %sub3A_285 : vector<1000x64xf32>
    %reduce_sum3A_287 = arith.constant dense<0.000000e+00> : vector<1000xf32>
    %reduce_sum3A_288 = vector.multi_reduction <add>, %mul3A_286, %reduce_sum3A_287 [1] : vector<1000x64xf32> to vector<1000xf32>
    %broadcast_in_dim3A_289 = vector.shape_cast %reduce_sum3A_288 : vector<1000xf32> to vector<1000x1xf32>
    %div3A_290 = arith.constant 6.400000e+01 : f32
    %div3A_291 = vector.broadcast %div3A_290 : f32 to vector<1000x1xf32>
    %div3A_292 = arith.divf %broadcast_in_dim3A_289, %div3A_291 : vector<1000x1xf32>
    %add3A_293 = arith.constant 9.99999974E-6 : f32
    %add3A_294 = vector.broadcast %add3A_293 : f32 to vector<1000x1xf32>
    %add3A_295 = arith.addf %div3A_292, %add3A_294 : vector<1000x1xf32>
    %rsqrt3A_296 = math.rsqrt %add3A_295 : vector<1000x1xf32>
    %mul3A_297 = vector.broadcast %rsqrt3A_296 : vector<1000x1xf32> to vector<1000x64xf32>
    %mul3A_298 = arith.mulf %sub3A_285, %mul3A_297 : vector<1000x64xf32>
    %get3A_299 = arith.constant 0 : index
    %get3A_300 = arith.constant 0 : index
    %get3A_301 = vector.load %arg15[%get3A_299, %get3A_300] : memref<1x64xf32, #tpu.memory_space<vmem>>, vector<1x64xf32>
    %mul3A_302 = vector.broadcast %get3A_301 : vector<1x64xf32> to vector<1000x64xf32>
    %mul3A_303 = arith.mulf %mul3A_298, %mul3A_302 : vector<1000x64xf32>
    %get3A_304 = arith.constant 0 : index
    %get3A_305 = arith.constant 0 : index
    %get3A_306 = vector.load %arg16[%get3A_304, %get3A_305] : memref<1x64xf32, #tpu.memory_space<vmem>>, vector<1x64xf32>
    %add3A_307 = vector.broadcast %get3A_306 : vector<1x64xf32> to vector<1000x64xf32>
    %add3A_308 = arith.addf %mul3A_303, %add3A_307 : vector<1000x64xf32>
    %get3A_309 = arith.constant 0 : index
    %get3A_310 = arith.constant 0 : index
    %get3A_311 = vector.load %arg17[%get3A_309, %get3A_310] : memref<64x128xf32, #tpu.memory_space<vmem>>, vector<64x128xf32>
    %dot_general3A_312 = arith.constant dense<0.000000e+00> : vector<1000x128xf32>
    %dot_general3A_313 = tpu.matmul %add3A_308, %get3A_311, %dot_general3A_312 {dimension_numbers = #tpu.dot_dimension_numbers<[1], [0], [0], [1], [0, 0, 1, 1], [], []>, transpose_lhs_hint = false} : vector<1000x64xf32>, vector<64x128xf32>, vector<1000x128xf32> -> vector<1000x128xf32>
    %get3A_314 = arith.constant 0 : index
    %get3A_315 = arith.constant 0 : index
    %get3A_316 = vector.load %arg18[%get3A_314, %get3A_315] : memref<1x128xf32, #tpu.memory_space<vmem>>, vector<1x128xf32>
    %add3A_317 = vector.broadcast %get3A_316 : vector<1x128xf32> to vector<1000x128xf32>
    %add3A_318 = arith.addf %dot_general3A_313, %add3A_317 : vector<1000x128xf32>
    %mul3A_319 = arith.constant 5.000000e-01 : f32
    %mul3A_320 = vector.broadcast %mul3A_319 : f32 to vector<1000x128xf32>
    %mul3A_321 = arith.mulf %mul3A_320, %add3A_318 : vector<1000x128xf32>
    %mul3A_322 = arith.constant 0.707106769 : f32
    %mul3A_323 = vector.broadcast %mul3A_322 : f32 to vector<1000x128xf32>
    %mul3A_324 = arith.mulf %add3A_318, %mul3A_323 : vector<1000x128xf32>
    %erf3A = math.erf %mul3A_324 : vector<1000x128xf32>
    %add3A_325 = arith.constant 1.000000e+00 : f32
    %add3A_326 = vector.broadcast %add3A_325 : f32 to vector<1000x128xf32>
    %add3A_327 = arith.addf %add3A_326, %erf3A : vector<1000x128xf32>
    %mul3A_328 = arith.mulf %mul3A_321, %add3A_327 : vector<1000x128xf32>
    %get3A_329 = arith.constant 0 : index
    %get3A_330 = arith.constant 0 : index
    %get3A_331 = vector.load %arg19[%get3A_329, %get3A_330] : memref<128x64xf32, #tpu.memory_space<vmem>>, vector<128x64xf32>
    %dot_general3A_332 = arith.constant dense<0.000000e+00> : vector<1000x64xf32>
    %dot_general3A_333 = tpu.matmul %mul3A_328, %get3A_331, %dot_general3A_332 {dimension_numbers = #tpu.dot_dimension_numbers<[1], [0], [0], [1], [0, 0, 1, 1], [], []>, transpose_lhs_hint = false} : vector<1000x128xf32>, vector<128x64xf32>, vector<1000x64xf32> -> vector<1000x64xf32>
    %get3A_334 = arith.constant 0 : index
    %get3A_335 = arith.constant 0 : index
    %get3A_336 = vector.load %arg20[%get3A_334, %get3A_335] : memref<1x64xf32, #tpu.memory_space<vmem>>, vector<1x64xf32>
    %add3A_337 = vector.broadcast %get3A_336 : vector<1x64xf32> to vector<1000x64xf32>
    %add3A_338 = arith.addf %dot_general3A_333, %add3A_337 : vector<1000x64xf32>
    %add3A_339 = arith.addf %add3A_277, %add3A_338 : vector<1000x64xf32>
    %get3A_340 = arith.constant 0 : index
    %get3A_341 = arith.constant 0 : index
    %get3A_342 = vector.load %arg21[%get3A_340, %get3A_341] : memref<1x1xf32, #tpu.memory_space<vmem>>, vector<1x1xf32>
    %mul3A_343 = vector.broadcast %get3A_342 : vector<1x1xf32> to vector<1000x64xf32>
    %mul3A_344 = arith.mulf %mul3A_343, %add3A_339 : vector<1000x64xf32>
    %get3A_345 = arith.constant 0 : index
    %get3A_346 = arith.constant 0 : index
    %get3A_347 = vector.load %arg11[%get3A_345, %get3A_346] : memref<1x64xf32, #tpu.memory_space<vmem>>, vector<1x64xf32>
    %add3A_348 = vector.broadcast %get3A_347 : vector<1x64xf32> to vector<1000x64xf32>
    %add3A_349 = arith.addf %mul3A_344, %add3A_348 : vector<1000x64xf32>
    %get3A_350 = arith.constant 0 : index
    %get3A_351 = arith.constant 0 : index
    %get3A_352 = vector.load %arg22[%get3A_350, %get3A_351] : memref<64x40xf32, #tpu.memory_space<vmem>>, vector<64x40xf32>
    %dot_general3A_353 = arith.constant dense<0.000000e+00> : vector<1000x40xf32>
    %dot_general3A_354 = tpu.matmul %add3A_349, %get3A_352, %dot_general3A_353 {dimension_numbers = #tpu.dot_dimension_numbers<[1], [0], [0], [1], [0, 0, 1, 1], [], []>, transpose_lhs_hint = false} : vector<1000x64xf32>, vector<64x40xf32>, vector<1000x40xf32> -> vector<1000x40xf32>
    %get3A_355 = arith.constant 0 : index
    %get3A_356 = arith.constant 0 : index
    %get3A_357 = vector.load %arg23[%get3A_355, %get3A_356] : memref<1x40xf32, #tpu.memory_space<vmem>>, vector<1x40xf32>
    %add3A_358 = vector.broadcast %get3A_357 : vector<1x40xf32> to vector<1000x40xf32>
    %add3A_359 = arith.addf %dot_general3A_354, %add3A_358 : vector<1000x40xf32>
    %swap3A = arith.constant 0 : index
    %swap3A_360 = arith.constant 0 : index
    %swap3A_361 = vector.load %arg24[%swap3A, %swap3A_360] : memref<1000x40xf32, #tpu.memory_space<vmem>>, vector<1000x40xf32>
    tpu.vector_store %arg24[%swap3A, %swap3A_360], %add3A_359 {strides = array<i32>} : memref<1000x40xf32, #tpu.memory_space<vmem>>, vector<1000x40xf32>,
    return
  }
  func.func @transform_0(%arg0: i32) -> (i32, i32, i32) {
    %c0_i32 = arith.constant 0 : i32
    %c0_i32_0 = arith.constant 0 : i32
    %c0_i32_1 = arith.constant 0 : i32
    return %c0_i32, %arg0, %c0_i32_0 : i32, i32, i32
  }
  func.func @transform_1(%arg0: i32) -> (i32, i32) {
    %c0_i32 = arith.constant 0 : i32
    %c0_i32_0 = arith.constant 0 : i32
    return %arg0, %c0_i32 : i32, i32
  }
  func.func @transform_2(%arg0: i32) -> (i32, i32, i32) {
    %c0_i32 = arith.constant 0 : i32
    %c0_i32_0 = arith.constant 0 : i32
    %c0_i32_1 = arith.constant 0 : i32
    return %c0_i32, %arg0, %c0_i32_0 : i32, i32, i32
  }
  func.func @transform_3(%arg0: i32) -> (i32, i32) {
    %c0_i32 = arith.constant 0 : i32
    %c0_i32_0 = arith.constant 0 : i32
    %c0_i32_1 = arith.constant 0 : i32
    return %c0_i32, %c0_i32_0 : i32, i32
  }
  func.func @transform_4(%arg0: i32) -> (i32, i32) {
    %c0_i32 = arith.constant 0 : i32
    %c0_i32_0 = arith.constant 0 : i32
    %c0_i32_1 = arith.constant 0 : i32
    return %c0_i32, %c0_i32_0 : i32, i32
  }
  func.func @transform_5(%arg0: i32) -> (i32, i32) {
    %c0_i32 = arith.constant 0 : i32
    %c0_i32_0 = arith.constant 0 : i32
    %c0_i32_1 = arith.constant 0 : i32
    return %c0_i32, %c0_i32_0 : i32, i32
  }
  func.func @transform_6(%arg0: i32) -> (i32, i32) {
    %c0_i32 = arith.constant 0 : i32
    %c0_i32_0 = arith.constant 0 : i32
    %c0_i32_1 = arith.constant 0 : i32
    return %c0_i32, %c0_i32_0 : i32, i32
  }
  func.func @transform_7(%arg0: i32) -> (i32, i32) {
    %c0_i32 = arith.constant 0 : i32
    %c0_i32_0 = arith.constant 0 : i32
    %c0_i32_1 = arith.constant 0 : i32
    return %c0_i32, %c0_i32_0 : i32, i32
  }
  func.func @transform_8(%arg0: i32) -> (i32, i32) {
    %c0_i32 = arith.constant 0 : i32
    %c0_i32_0 = arith.constant 0 : i32
    %c0_i32_1 = arith.constant 0 : i32
    return %c0_i32, %c0_i32_0 : i32, i32
  }
  func.func @transform_9(%arg0: i32) -> (i32, i32) {
    %c0_i32 = arith.constant 0 : i32
    %c0_i32_0 = arith.constant 0 : i32
    %c0_i32_1 = arith.constant 0 : i32
    return %c0_i32, %c0_i32_0 : i32, i32
  }
  func.func @transform_10(%arg0: i32) -> (i32, i32) {
    %c0_i32 = arith.constant 0 : i32
    %c0_i32_0 = arith.constant 0 : i32
    %c0_i32_1 = arith.constant 0 : i32
    return %c0_i32, %c0_i32_0 : i32, i32
  }
  func.func @transform_11(%arg0: i32) -> (i32, i32) {
    %c0_i32 = arith.constant 0 : i32
    %c0_i32_0 = arith.constant 0 : i32
    %c0_i32_1 = arith.constant 0 : i32
    return %c0_i32, %c0_i32_0 : i32, i32
  }
  func.func @transform_12(%arg0: i32) -> (i32, i32) {
    %c0_i32 = arith.constant 0 : i32
    %c0_i32_0 = arith.constant 0 : i32
    %c0_i32_1 = arith.constant 0 : i32
    return %c0_i32, %c0_i32_0 : i32, i32
  }
  func.func @transform_13(%arg0: i32) -> (i32, i32) {
    %c0_i32 = arith.constant 0 : i32
    %c0_i32_0 = arith.constant 0 : i32
    %c0_i32_1 = arith.constant 0 : i32
    return %c0_i32, %c0_i32_0 : i32, i32
  }
  func.func @transform_14(%arg0: i32) -> (i32, i32) {
    %c0_i32 = arith.constant 0 : i32
    %c0_i32_0 = arith.constant 0 : i32
    %c0_i32_1 = arith.constant 0 : i32
    return %c0_i32, %c0_i32_0 : i32, i32
  }
  func.func @transform_15(%arg0: i32) -> (i32, i32) {
    %c0_i32 = arith.constant 0 : i32
    %c0_i32_0 = arith.constant 0 : i32
    %c0_i32_1 = arith.constant 0 : i32
    return %c0_i32, %c0_i32_0 : i32, i32
  }
  func.func @transform_16(%arg0: i32) -> (i32, i32) {
    %c0_i32 = arith.constant 0 : i32
    %c0_i32_0 = arith.constant 0 : i32
    %c0_i32_1 = arith.constant 0 : i32
    return %c0_i32, %c0_i32_0 : i32, i32
  }
  func.func @transform_17(%arg0: i32) -> (i32, i32) {
    %c0_i32 = arith.constant 0 : i32
    %c0_i32_0 = arith.constant 0 : i32
    %c0_i32_1 = arith.constant 0 : i32
    return %c0_i32, %c0_i32_0 : i32, i32
  }
  func.func @transform_18(%arg0: i32) -> (i32, i32) {
    %c0_i32 = arith.constant 0 : i32
    %c0_i32_0 = arith.constant 0 : i32
    %c0_i32_1 = arith.constant 0 : i32
    return %c0_i32, %c0_i32_0 : i32, i32
  }
  func.func @transform_19(%arg0: i32) -> (i32, i32) {
    %c0_i32 = arith.constant 0 : i32
    %c0_i32_0 = arith.constant 0 : i32
    %c0_i32_1 = arith.constant 0 : i32
    return %c0_i32, %c0_i32_0 : i32, i32
  }
  func.func @transform_20(%arg0: i32) -> (i32, i32) {
    %c0_i32 = arith.constant 0 : i32
    %c0_i32_0 = arith.constant 0 : i32
    %c0_i32_1 = arith.constant 0 : i32
    return %c0_i32, %c0_i32_0 : i32, i32
  }
  func.func @transform_21(%arg0: i32) -> (i32, i32) {
    %c0_i32 = arith.constant 0 : i32
    %c0_i32_0 = arith.constant 0 : i32
    %c0_i32_1 = arith.constant 0 : i32
    return %c0_i32, %c0_i32_0 : i32, i32
  }
  func.func @transform_22(%arg0: i32) -> (i32, i32) {
    %c0_i32 = arith.constant 0 : i32
    %c0_i32_0 = arith.constant 0 : i32
    %c0_i32_1 = arith.constant 0 : i32
    return %c0_i32, %c0_i32_0 : i32, i32
  }
  func.func @transform_23(%arg0: i32) -> (i32, i32) {
    %c0_i32 = arith.constant 0 : i32
    %c0_i32_0 = arith.constant 0 : i32
    return %arg0, %c0_i32 : i32, i32
  }
}

</mosaic_0001>

<sc_bundles>
// kernel: kernel.11.cloned.1.call-start
scs
__scs_entry_jumppad:
0x0: {  	(pc) =	sbr.rel $0x88, $3  }
0x1: {  	(tag) =	ssettag $0x0;
	lr =	simm.s32 $0x1  }
0x2: {  	[smem:$0x3F83] =	sst lr;
	_ =	strace $0xD0000000  }
0x3: {  	_ = 	snop  }
0x4: {  	_ = 	snop  }
0x5: {  	_ = 	snop  }
0x6: {  	_ = 	snop  }
0x7: {  	_ = 	snop  }
__scs_overlays_trampoline_lowered:
0x8: {  	[smem:$0x3F92] =	sst s0  }
0x9: {  	[smem:$0x3F93] =	sst s1  }
0xa: {  	[smem:$0x3F94] =	sst s2  }
0xb: {  	[smem:$0x3F95] =	sst s3  }
0xc: {  	[smem:$0x3F96] =	sst s4  }
0xd: {  	[smem:$0x3F97] =	sst s5  }
0xe: {  	[smem:$0x3F98] =	sst s6  }
0xf: {  	[smem:$0x3F99] =	sst s7  }
0x10: {  	[smem:$0x3F9A] =	sst s8  }
0x11: {  	[smem:$0x3F9B] =	sst s9;
	s0 =	simm.s32 @!p0 $0x0  }
0x12: {  	s1 =	sld [smem:$0x3F81];
	s0 =	simm.s32 @p0 $0x1  }
0x13: {  	[smem:$0x3F9C] =	sst s0;
	s0 =	simm.s32 @!p1 $0x0  }
0x14: {  	s2 =	sld [smem:$0x3F80];
	s0 =	simm.s32 @p1 $0x1  }
0x15: {  	[smem:$0x3F9D] =	sst s0;
	s0 =	simm.s32 @!p2 $0x0  }
0x16: {  	s3 =	sld [smem:$0x3FDB];
	s0 =	simm.s32 @p2 $0x1  }
0x17: {  	s4 =	simm.s32 $0x1BF5;
	[smem:$0x3F9F] =	sst s0  }
0x18: {  	s0 =	sld [smem:$0x3F82];
	_ =	swait.ge [sflag:s4], $0x0  }
0x19: {  	s7 =	sld [smem:$0x3F83]  }
0x1a: {  	s8 =	sadd.s32 $0xFFFFE003, lr  }
0x1b: {  	s9 =	sadd.s32 $0xFFFFFEF7, lr;
	s5 =	simm.s32 $0xFFFFFFFF;
	p2 =	slt.u32 s8, $0xFFFFF086  }
0x1c: {  	p1 =	slt.u32 s9, $0xF7A;
	s5 =	simm.s32 @!p2 $0x0  }
0x1d: {  	s5 =	simm.s32 @p1 $0x1;
	p0 =	seq.s32 s7, s2  }
0x1e: {  	s7 =	smul.u32 @!p0 $0xF7A, s2;
	p2 =	seq.s32 @!p0 s5, $0x0  }
0x1f: {  	s9 =	smul.u32 $0xF7A, s1;
	s8 =	simm.s32 @!p0 $0x1BF5;
	p2 =	por !p2, p0  }
0x20: {  	[sflag:s8] =	ssyncset.s32 @!p0 $0xFFFFF086;
	s6 =	sadd.s32 @!p0 s3, s7;
	s7 =	simm.s32 @!p0 $0x108  }
0x21: {  	s3 =	sadd.s32 s3, s9;
	s6 =	sadd.s32 @!p0 $0x88, s6;
	s7 =	simm.s32 @p2 $0x1082  }
0x22: {  	[simem:s7], [sflag:s8] =	dma.local @!p0 [hbm:s6], $0xF7A  }
0x23: {  	s9 =	sor.u32 $0xD0000000, s2;
	s6 =	simm.s32 $0x108;
	_ =	swait.ge @!p0 [sflag:s8], $0x0  }
0x24: {  	s3 =	sadd.s32 $0x88, s3;
	s6 =	simm.s32 @!p1 $0x1082;
	[sflag:s4] =	ssyncset.s32 $0xFFFFF086  }
0x25: {  	[simem:s6], [sflag:s4] =	dma.local [hbm:s3], $0xF7A  }
0x26: {  	[smem:$0x3F83] =	sst s1;
	(tag) =	ssettag s2;
	_ =	strace s9  }
0x27: {  	s1 =	sld [smem:$0x3F93]  }
0x28: {  	s2 =	sld [smem:$0x3F94]  }
0x29: {  	s4 =	sld [smem:$0x3F96]  }
0x2a: {  	p0 =	seq.s32 s5, $0x0;
	s5 =	sld [smem:$0x3F97]  }
0x2b: {  	s6 =	sld [smem:$0x3F98]  }
0x2c: {  	s7 =	sld [smem:$0x3F99]  }
0x2d: {  	s3 =	simm.s32 $0x108;
	s8 =	sld [smem:$0x3F9A]  }
0x2e: {  	s3 =	simm.s32 @!p0 $0x1082;
	s9 =	sld [smem:$0x3F9B]  }
0x2f: {  	lr =	sadd.s32 s0, s3;
	s0 =	sld [smem:$0x3F92]  }
0x30: {  	s3 =	sld [smem:$0x3F95]  }
0x31: {  	[smem:$0x3F9E] =	sst s10  }
0x32: {  	s10 =	sld [smem:$0x3F9C];
	_ =	sdelay $0x3  }
0x33: {  	p0 =	seq.s32 s10, $0x1;
	s10 =	sld [smem:$0x3F9E];
	_ =	sdelay $0x3  }
0x34: {  	[smem:$0x3F9E] =	sst s10  }
0x35: {  	s10 =	sld [smem:$0x3F9D];
	_ =	sdelay $0x3  }
0x36: {  	p1 =	seq.s32 s10, $0x1;
	s10 =	sld [smem:$0x3F9E];
	_ =	sdelay $0x3  }
0x37: {  	[smem:$0x3F9E] =	sst s10  }
0x38: {  	s10 =	sld [smem:$0x3F9F]  }
0x39: {  	_ = 	snop;
	(pc) =	sbr.ind lr, $3  }
0x3a: {  	_ = 	snop  }
0x3b: {  	_ = 	snop  }
0x3c: {  	p2 =	seq.s32 s10, $0x1;
	s10 =	sld [smem:$0x3F9E]  }
0x3d: {  	_ =	shalt  }
0x3e: {  	_ =	shalt  }
0x3f: {  	_ =	shalt  }
0x40: {  	_ =	shalt  }
0x41: {  	_ =	shalt  }
0x42: {  	_ =	shalt  }
0x43: {  	_ =	shalt  }
0x44: {  	_ =	shalt  }
0x45: {  	_ =	shalt  }
0x46: {  	_ =	shalt  }
0x47: {  	_ =	shalt  }
0x48: {  	_ =	shalt  }
0x49: {  	_ =	shalt  }
0x4a: {  	_ =	shalt  }
0x4b: {  	_ =	shalt  }
0x4c: {  	_ =	shalt  }
0x4d: {  	_ =	shalt  }
0x4e: {  	_ =	shalt  }
0x4f: {  	_ =	shalt  }
0x50: {  	_ =	shalt  }
0x51: {  	_ =	shalt  }
0x52: {  	_ =	shalt  }
0x53: {  	_ =	shalt  }
0x54: {  	_ =	shalt  }
0x55: {  	_ =	shalt  }
0x56: {  	_ =	shalt  }
0x57: {  	_ =	shalt  }
0x58: {  	_ =	shalt  }
0x59: {  	_ =	shalt  }
0x5a: {  	_ =	shalt  }
0x5b: {  	_ =	shalt  }
0x5c: {  	_ =	shalt  }
0x5d: {  	_ =	shalt  }
0x5e: {  	_ =	shalt  }
0x5f: {  	_ =	shalt  }
0x60: {  	_ =	shalt  }
0x61: {  	_ =	shalt  }
0x62: {  	_ =	shalt  }
0x63: {  	_ =	shalt  }
0x64: {  	_ =	shalt  }
0x65: {  	_ =	shalt  }
0x66: {  	_ =	shalt  }
0x67: {  	_ =	shalt  }
0x68: {  	_ =	shalt  }
0x69: {  	_ =	shalt  }
0x6a: {  	_ =	shalt  }
0x6b: {  	_ =	shalt  }
0x6c: {  	_ =	shalt  }
0x6d: {  	_ =	shalt  }
0x6e: {  	_ =	shalt  }
0x6f: {  	_ =	shalt  }
0x70: {  	_ =	shalt  }
0x71: {  	_ =	shalt  }
0x72: {  	_ =	shalt  }
0x73: {  	_ =	shalt  }
0x74: {  	_ =	shalt  }
0x75: {  	_ =	shalt  }
0x76: {  	_ =	shalt  }
0x77: {  	_ =	shalt  }
0x78: {  	_ =	shalt  }
0x79: {  	_ =	shalt  }
0x7a: {  	_ =	shalt  }
0x7b: {  	_ =	shalt  }
0x7c: {  	_ =	shalt  }
0x7d: {  	_ =	shalt  }
0x7e: {  	_ =	shalt  }
0x7f: {  	_ =	shalt  }
0x80: {  	_ =	shalt  }
0x81: {  	_ =	shalt  }
0x82: {  	_ =	shalt  }
0x83: {  	_ =	shalt  }
0x84: {  	_ =	shalt  }
0x85: {  	_ =	shalt  }
0x86: {  	_ =	shalt  }
0x87: {  	_ =	shalt  }
.Lfunc_end0:
.L_simem_size_0:
called_computation.1_lowered:
.L_overlay_start_0:
0x88: {  	s2 =	sld [smem:$0x3FD9]  }
0x89: {  	s3 =	sld [smem:$0x3FFE];
	_ =	sdelay $0x1  }
0x8a: {  	s1 =	srdreg.scid  }
0x8b: {  	s0 =	sand.u32 $0x1, s1  }
0x8c: {  	s16 =	sshll.u32 s0, $0xA;
	s2 =	sadd.s32 s3, s2  }
0x8d: {  	s2 =	sadd.s32 s2, s16  }
0x8e: {  	[smem:$0x3FAA] =	sst s2  }
0x8f: {  	_ = 	snop  }
0x90: {  	(tm) =	ssettm $0x1  }
0x91: {  	s17 =	sld [smem:$0x3FFB];
	_ =	sdelay $0x3  }
0x92: {  	_ =	strace s17  }
0x93: {  	s2 =	sld [smem:$0x3FFC];
	_ =	sdelay $0x3  }
0x94: {  	_ =	strace s2  }
0x95: {  	s2 =	sld [smem:$0x3FFD];
	_ =	sdelay $0x3  }
0x96: {  	_ =	strace s2  }
0x97: {  	_ =	strace $0x8FFFFFFF  }
0x98: {  	s18 =	sld [smem:$0x3FDB];
	_ =	sdelay $0x1  }
0x99: {  	s19 =	simm.s32 $_scs_section_size  }
0x9a: {  	s4 =	simm.s32 $_size__tile_overlayer_lowered;
	s5 =	simm.s32 $_tile_overlayer_lowered  }
0x9b: {  	s22 =	simm.s32 $0x1BFF;
	s21 =	sshll.u32 s5, $0x1;
	s2 =	sadd.s32 s19, s18  }
0x9c: {  	s6 =	simm.s32 $0x0;
	s20 =	sshll.u32 s4, $0x1;
	s4 =	sadd.s32 s21, s2  }
0x9d: {  	[timem:s6], [sflag:s22] =	dma.local [hbm:s4], s20  }
0x9e: {  	_ =	swait.ge [sflag:s22], s20  }
0x9f: {  	s3 =	ssub.s32 $0x0, s20;
	[sflag:s22] =	ssyncset.done $0x0  }
0xa0: {  	[sflag:s22] =	ssyncadd.s32 s3;
	_ =	sdelay $0x1  }
0xa1: {  	s23 =	simm.s32 $0x1B8B  }
0xa2: {  	_ =	swait.ge [sflag:s23], $0x1  }
0xa3: {  	[sflag:s23] =	ssyncset.done $0x0  }
0xa4: {  	s25 =	simm.s32 $0x1B8E;
	s24 =	sld [smem:$0x3FFE];
	[sflag:s23] =	ssyncadd.s32 $0xFFFFFFFF  }
0xa5: {  	s26 =	simm.s32 $execute0_lowered;
	[smem:$0x3FD2] =	sst s25  }
0xa6: {  	s4 =	sshll.u32 s26, $0x1;
	_ =	strace $0x80000049;
	[dreg:$0x1] =	wrdreg $0xFFFFFFFF  }
0xa7: {  	s28 =	simm.s32 $_size_execute0_lowered;
	s2 =	sadd.s32 s2, s4;
	[dreg:$0x0] =	wrdreg $0x0  }
0xa8: {  	s4 =	sshll.u32 s28, $0x1;
	[dreg:$0x2] =	wrdreg s2  }
0xa9: {  	[dreg:$0x3] =	wrdreg s4  }
0xaa: {  	[dreg:$0x4] =	wrdreg $0xC0  }
0xab: {  	_ =	task [dreg:s6], $0x5FFFF  }
0xac: {  	[dreg:$0x1] =	wrdreg $0xFFFFFFFF  }
0xad: {  	[dreg:$0x0] =	wrdreg $0x60  }
0xae: {  	[dreg:$0x2] =	wrdreg s24  }
0xaf: {  	[dreg:$0x3] =	wrdreg $0x102200  }
0xb0: {  	[dreg:$0x4] =	wrdreg $0x9  }
0xb1: {  	_ =	task.clear_ibuf [dreg:s6], $0x5FFFF;
	_ =	strace $0x90000049  }
0xb2: {  	s29 =	simm.s32 $0x9;
	_ =	strace $0x8000004B  }
0xb3: {  	_ =	swait.ge [sflag:s29], $0x1  }
0xb4: {  	[sflag:s29] =	ssyncadd.s32 $0xFFFFFFFF  }
0xb5: {  	_ =	strace $0x9000004B  }
0xb6: {  	_ =	sfence  }
0xb7: {  	s30 =	sld [smem:$0x0];
	_ =	sdelay $0x2  }
0xb8: {  	s31 =	sshll.u32 s1, $0xD;
	s1 =	sshrl.u32 s1, $0x2  }
0xb9: {  	s3 =	sand.u32 $0x4000, s31;
	s1 =	sadd.s32 s1, s30  }
0xba: {  	s0 =	sor.u32 s3, s0;
	s1 =	sshll.u32 s1, $0x11  }
0xbb: {  	s0 =	sor.u32 s1, s0  }
0xbc: {  	s0 =	sadd.s32 $0x8F2B, s0  }
0xbd: {  	[sflag:s0] =	ssyncadd.remote.s32 $0x1  }
0xbe: {  	_ =	sfence.sel $0xFFFF  }
0xbf: {  	[dreg:$0x0] =	wrdreg $0xFFFFFFFF;
	(pc) =	sbr.abs _section_cstart, $3  }
0xc0: {  	[dreg:$0x1] =	wrdreg $0xFFFFFFFF  }
0xc1: {  	_ =	task.clear_ibuf [dreg:s6], $0x2FFFF;
	_ =	strace $0x9FFFFFFF  }
0xc2: {  	(tm) =	ssettm $0x7FFFFFFF  }
0xc3: {  	_ =	shalt  }
tec
execute0_lowered:
.L_overlay_start_1:
0x0: {  	(tag) =	ssettag $0x1  }
0x1: {  	s5 =	rddreg [dreg:$0x0]  }
0x2: {  	s2 =	rddreg [dreg:$0x1];
	s3 =	srdreg.scid  }
0x3: {  	s1 =	stileid.u32;
	s0 =	rddreg [dreg:$0x2];
	s11 =	simm.s32 $0x2  }
0x4: {  	s12 =	simm.s32 $0x2710;
	s13 =	simm.s32 $0x50;
	s14 =	simm.s32 $0x4E20  }
0x5: {  	s15 =	simm.s32 $0x1;
	s6 =	sand.u32 $0x1, s3;
	s7 =	smul.u32 $0xA000, s1  }
0x6: {  	s3 =	simm.s32 $0x0;
	s16 =	sshll.u32 s1, $0x6;
	s4 =	sshll.u32 s6, $0x4  }
0x7: {  	s8 =	smul.u32 $0xA0000, s6;
	[smem:$0x7FF] =	sst s3;
	s6 =	ssub.s32 $0x2, s6  }
0x8: {  	s16 =	sor.u32 $0x1C02, s16;
	s4 =	sor.u32 s1, s4;
	_ =	strace $0x8000004A  }
0x9: {  	s31 =	sshrl.u32 s6, $0x1;
	s9 =	smul.u32 $0x4E2, s4;
	s8 =	sadd.s32 s7, s8  }
0xa: {  	s4 =	sadd.s32 $0x8C800, s5;
	s10 =	ssub.s32 s6, s31;
	s8 =	sshrl.u32 s8, $0x3  }
0xb: {  	s9 =	sadd.s32 s9, s5;
	s8 =	sadd.s32 s8, s5;
	s5 =	sadd.s32 s7, s2  }
0xc: {  	s6 =	sadd.s32 $0x1A00, s9;
	s7 =	sadd.s32 $0xB800, s9;
	s8 =	sadd.s32 $0xA0200, s8  }
0xd: {  	v0 =	vimm.f32 $0.0e+00;
	s9 =	smax.u32 s10, $0x1;
	s10 =	simm.s32 $0x6220;
	s17 =	sshrl.u32 s5, $0x3  }
.LBB2_1:
0xe: {  	s19 =	simm.s32 $0x100;
	s18 =	simm.s32 $0x0  }
.LBB2_2:
0xf: {  	p0 =	sne.s32 s19, $0x27F00;
	[tilespmem:s18+$0x6250] =	vst v0;
	s20 =	smov.u32 s19;
	s19 =	sadd.s32 $0x100, s19  }
.Ltmp0:
0x10: {  	[tilespmem:s18+$0x6240] =	vst v0;
	(pc) =	sbr.rel @p0 .LBB2_2-.Ltmp0, $3  }
0x11: {  	[tilespmem:s18+$0x6220] =	vst v0  }
0x12: {  	[tilespmem:s18+$0x6230] =	vst v0;
	_ =	sdelay $0x1  }
0x13: {  	s18 =	sshra.s32 s20, $0x2  }
0x14: {  	[tilespmem:s18+$0x6250] =	vst v0  }
0x15: {  	[tilespmem:s18+$0x6240] =	vst v0  }
0x16: {  	[tilespmem:s18+$0x6220] =	vst v0  }
0x17: {  	[tilespmem:s18+$0x6230] =	vst v0  }
0x18: {  	[spmem:s5] =	stream.linear.scatter [tilespmem:s10], [sflag:$0x2], $0xA000, $0x38;
	[tilespmem:$0x1A220] =	vst v63  }
0x19: {  	_ =	swait.ge [sflag:s11], $0xA000  }
0x1a: {  	[sflag:s11] =	ssyncset.done $0x0  }
0x1b: {  	[sflag:s11] =	ssyncadd.s32 $0xFFFF6000  }
0x1c: {  	s29 =	simm.s32 $0x0;
	[bflag:$0x0] =	sbarrier.arrive $0xFFFF  }
0x1d: {  	[tilespmem:s29], [sflag:$0x2] =	stream.linear.gather [hbm4b:s6+s29], $0x2710, $0x38;
	[tilespmem:$0x1A220] =	vst v63  }
0x1e: {  	_ =	swait.ge [sflag:s11], $0x2710  }
0x1f: {  	[sflag:s11] =	ssyncset.done $0x0  }
0x20: {  	[sflag:s11] =	ssyncadd.s32 $0xFFFFD8F0  }
0x21: {  	[tilespmem:s12], [sflag:$0x2] =	stream.linear.gather [hbm4b:s7+s29], $0x2710, $0x38;
	[tilespmem:$0x1A220] =	vst v63  }
0x22: {  	_ =	swait.ge [sflag:s11], $0x2710  }
0x23: {  	[sflag:s11] =	ssyncset.done $0x0  }
0x24: {  	s30 =	simm.s32 $0x0;
	[sflag:s11] =	ssyncadd.s32 $0xFFFFD8F0  }
0x25: {  	[tilespmem:s14], [sflag:$0x1] =	stream.indirect.gather [hbm4b:s4+s13], $0x40, s30, s13, $0xb8;
	[tilespmem:$0x1A220] =	vst v63  }
0x26: {  	_ =	swait.ge [sflag:s15], $0x1400  }
0x27: {  	[sflag:s15] =	ssyncset.done $0x0  }
0x28: {  	s31 =	simm.s32 $0x2710;
	[sflag:s15] =	ssyncadd.s32 $0xFFFFEC00  }
0x29: {  	[spmem:s2] =	stream.indirect.scatter.add.f32 [tilespmem:s14], [sflag:$0x2], $0x40, s31, s13, $0xb8;
	[tilespmem:$0x1A220] =	vst v63  }
0x2a: {  	_ =	swait.ge [sflag:s11], $0x1400  }
0x2b: {  	s18 =	simm.s32 $0x140;
	s19 =	simm.s32 $0x280;
	[sflag:s11] =	ssyncset.done $0x0  }
.LBB2_4:
0x2c: {  	s20 =	sshra.s32 s18, $0x2  }
0x2d: {  	[sflag:s11] =	ssyncadd.s32 $0xFFFFEC00;
	s18 =	smov.u32 s19;
	s21 =	sadd.s32 $0x140, s19  }
0x2e: {  	[tilespmem:s14], [sflag:$0x1] =	stream.indirect.gather [hbm4b:s4+s13], $0x40, s20, s13, $0xb8;
	[tilespmem:$0x1A220] =	vst v63  }
0x2f: {  	p0 =	sne.s32 s19, $0x9B00;
	_ =	swait.ge [sflag:s15], $0x1400  }
.Ltmp1:
0x30: {  	[sflag:s15] =	ssyncset.done $0x0;
	(pc) =	sbr.rel @p0 .LBB2_4-.Ltmp1, $4  }
0x31: {  	s19 =	sadd.s32 $0x2710, s20;
	[sflag:s15] =	ssyncadd.s32 $0xFFFFEC00  }
0x32: {  	[spmem:s2] =	stream.indirect.scatter.add.f32 [tilespmem:s14], [sflag:$0x2], $0x40, s19, s13, $0xb8;
	[tilespmem:$0x1A220] =	vst v63  }
0x33: {  	_ =	swait.ge [sflag:s11], $0x1400  }
0x34: {  	s19 =	smov.u32 s21;
	[sflag:s11] =	ssyncset.done $0x0  }
0x35: {  	s18 =	sshra.s32 s18, $0x2;
	[sflag:s11] =	ssyncadd.s32 $0xFFFFEC00  }
0x36: {  	[tilespmem:s14], [sflag:$0x1] =	stream.indirect.gather [hbm4b:s4+s13], $0x40, s18, s13, $0xb8;
	[tilespmem:$0x1A220] =	vst v63  }
0x37: {  	_ =	swait.ge [sflag:s15], $0x1400  }
0x38: {  	[sflag:s15] =	ssyncset.done $0x0  }
0x39: {  	s18 =	sadd.s32 $0x2710, s18;
	[sflag:s15] =	ssyncadd.s32 $0xFFFFEC00  }
0x3a: {  	[spmem:s2] =	stream.indirect.scatter.add.f32 [tilespmem:s14], [sflag:$0x2], $0x40, s18, s13, $0xb8;
	[tilespmem:$0x1A220] =	vst v63  }
0x3b: {  	_ =	swait.ge [sflag:s11], $0x1400  }
0x3c: {  	s3 =	sadd.s32 $0x1, s3;
	[sflag:s11] =	ssyncset.done $0x0  }
0x3d: {  	p0 =	sne.s32 s3, s9;
	[sflag:s11] =	ssyncadd.s32 $0xFFFFEC00  }
.Ltmp2:
0x3e: {  	[bflag:$0x0] =	sbarrier.arrive $0xFFFF;
	(pc) =	sbr.rel @p0 .LBB2_1-.Ltmp2, $4  }
0x3f: {  	[hbm:s8], [sflag:s16] =	dma.local [spmem:s17], $0x1400  }
0x40: {  	_ =	swait.ge [sflag:s11], $0x1400  }
0x41: {  	[sflag:s11] =	ssyncset.done $0x0  }
0x42: {  	[sflag:s11] =	ssyncadd.s32 $0xFFFFEC00  }
0x43: {  	_ =	sfence.sel $0x180000  }
0x44: {  	[bflag:$0x0] =	sbarrier.arrive $0xFFFF  }
0x45: {  	p0 =	sne.s32 s1, $0x0;
	_ =	strace $0x9000004A  }
0x46: {  	s0 =	sadd.s32 @!p0 $0x100000, s0;
	[bflag:$0x2] =	sbarrier.arrive $0xFFFF  }
0x47: {  	[sflag:s0] =	ssyncadd.tile.s32 @!p0 $0x1;
	_ =	shalt  }
.Lfunc_end2:
_tile_overlayer_lowered:
.L_overlay_start_2:
0x48: {  	(tag) =	ssettag $0x2  }
0x49: {  	s0 =	rddreg [dreg:$0x0];
	s2 =	stileid.u32  }
0x4a: {  	s1 =	rddreg [dreg:$0x1];
	p0 =	sne.s32 s2, $0x0  }
0x4b: {  	s3 =	rddreg [dreg:$0x2];
	[bflag:$0x3] =	sbarrier.arrive $0xFFFF;
	s2 =	simm.s32 @!p0 $0x1C02  }
0x4c: {  	[timem:s3], [sflag:s2] =	dma.local @!p0 [hbm:s0], s1  }
0x4d: {  	s0 =	simm.s32 @!p0 $0x2  }
0x4e: {  	_ =	swait.ge @!p0 [sflag:s0], s1  }
0x4f: {  	s1 =	ssub.s32 @!p0 $0x0, s1;
	[sflag:s0] =	ssyncset.done @!p0 $0x0  }
0x50: {  	[sflag:s0] =	ssyncadd.s32 @!p0 s1  }
0x51: {  	[bflag:$0x3] =	sbarrier.arrive $0xFFFF  }
0x52: {  	_ =	shalt  }

// kernel: kernel.14.cloned.1.call-start
scs
__scs_entry_jumppad:
0x0: {  	(pc) =	sbr.rel $0x88, $3  }
0x1: {  	(tag) =	ssettag $0x0;
	lr =	simm.s32 $0x1  }
0x2: {  	[smem:$0x3F83] =	sst lr;
	_ =	strace $0xD0000000  }
0x3: {  	_ = 	snop  }
0x4: {  	_ = 	snop  }
0x5: {  	_ = 	snop  }
0x6: {  	_ = 	snop  }
0x7: {  	_ = 	snop  }
__scs_overlays_trampoline_lowered:
0x8: {  	[smem:$0x3F92] =	sst s0  }
0x9: {  	[smem:$0x3F93] =	sst s1  }
0xa: {  	[smem:$0x3F94] =	sst s2  }
0xb: {  	[smem:$0x3F95] =	sst s3  }
0xc: {  	[smem:$0x3F96] =	sst s4  }
0xd: {  	[smem:$0x3F97] =	sst s5  }
0xe: {  	[smem:$0x3F98] =	sst s6  }
0xf: {  	[smem:$0x3F99] =	sst s7  }
0x10: {  	[smem:$0x3F9A] =	sst s8  }
0x11: {  	[smem:$0x3F9B] =	sst s9;
	s0 =	simm.s32 @!p0 $0x0  }
0x12: {  	s1 =	sld [smem:$0x3F81];
	s0 =	simm.s32 @p0 $0x1  }
0x13: {  	[smem:$0x3F9C] =	sst s0;
	s0 =	simm.s32 @!p1 $0x0  }
0x14: {  	s2 =	sld [smem:$0x3F80];
	s0 =	simm.s32 @p1 $0x1  }
0x15: {  	[smem:$0x3F9D] =	sst s0;
	s0 =	simm.s32 @!p2 $0x0  }
0x16: {  	s3 =	sld [smem:$0x3FDB];
	s0 =	simm.s32 @p2 $0x1  }
0x17: {  	s4 =	simm.s32 $0x1BF5;
	[smem:$0x3F9F] =	sst s0  }
0x18: {  	s0 =	sld [smem:$0x3F82];
	_ =	swait.ge [sflag:s4], $0x0  }
0x19: {  	s7 =	sld [smem:$0x3F83]  }
0x1a: {  	s8 =	sadd.s32 $0xFFFFE003, lr  }
0x1b: {  	s9 =	sadd.s32 $0xFFFFFEF7, lr;
	s5 =	simm.s32 $0xFFFFFFFF;
	p2 =	slt.u32 s8, $0xFFFFF086  }
0x1c: {  	p1 =	slt.u32 s9, $0xF7A;
	s5 =	simm.s32 @!p2 $0x0  }
0x1d: {  	s5 =	simm.s32 @p1 $0x1;
	p0 =	seq.s32 s7, s2  }
0x1e: {  	s7 =	smul.u32 @!p0 $0xF7A, s2;
	p2 =	seq.s32 @!p0 s5, $0x0  }
0x1f: {  	s9 =	smul.u32 $0xF7A, s1;
	s8 =	simm.s32 @!p0 $0x1BF5;
	p2 =	por !p2, p0  }
0x20: {  	[sflag:s8] =	ssyncset.s32 @!p0 $0xFFFFF086;
	s6 =	sadd.s32 @!p0 s3, s7;
	s7 =	simm.s32 @!p0 $0x108  }
0x21: {  	s3 =	sadd.s32 s3, s9;
	s6 =	sadd.s32 @!p0 $0x88, s6;
	s7 =	simm.s32 @p2 $0x1082  }
0x22: {  	[simem:s7], [sflag:s8] =	dma.local @!p0 [hbm:s6], $0xF7A  }
0x23: {  	s9 =	sor.u32 $0xD0000000, s2;
	s6 =	simm.s32 $0x108;
	_ =	swait.ge @!p0 [sflag:s8], $0x0  }
0x24: {  	s3 =	sadd.s32 $0x88, s3;
	s6 =	simm.s32 @!p1 $0x1082;
	[sflag:s4] =	ssyncset.s32 $0xFFFFF086  }
0x25: {  	[simem:s6], [sflag:s4] =	dma.local [hbm:s3], $0xF7A  }
0x26: {  	[smem:$0x3F83] =	sst s1;
	(tag) =	ssettag s2;
	_ =	strace s9  }
0x27: {  	s1 =	sld [smem:$0x3F93]  }
0x28: {  	s2 =	sld [smem:$0x3F94]  }
0x29: {  	s4 =	sld [smem:$0x3F96]  }
0x2a: {  	p0 =	seq.s32 s5, $0x0;
	s5 =	sld [smem:$0x3F97]  }
0x2b: {  	s6 =	sld [smem:$0x3F98]  }
0x2c: {  	s7 =	sld [smem:$0x3F99]  }
0x2d: {  	s3 =	simm.s32 $0x108;
	s8 =	sld [smem:$0x3F9A]  }
0x2e: {  	s3 =	simm.s32 @!p0 $0x1082;
	s9 =	sld [smem:$0x3F9B]  }
0x2f: {  	lr =	sadd.s32 s0, s3;
	s0 =	sld [smem:$0x3F92]  }
0x30: {  	s3 =	sld [smem:$0x3F95]  }
0x31: {  	[smem:$0x3F9E] =	sst s10  }
0x32: {  	s10 =	sld [smem:$0x3F9C];
	_ =	sdelay $0x3  }
0x33: {  	p0 =	seq.s32 s10, $0x1;
	s10 =	sld [smem:$0x3F9E];
	_ =	sdelay $0x3  }
0x34: {  	[smem:$0x3F9E] =	sst s10  }
0x35: {  	s10 =	sld [smem:$0x3F9D];
	_ =	sdelay $0x3  }
0x36: {  	p1 =	seq.s32 s10, $0x1;
	s10 =	sld [smem:$0x3F9E];
	_ =	sdelay $0x3  }
0x37: {  	[smem:$0x3F9E] =	sst s10  }
0x38: {  	s10 =	sld [smem:$0x3F9F]  }
0x39: {  	_ = 	snop;
	(pc) =	sbr.ind lr, $3  }
0x3a: {  	_ = 	snop  }
0x3b: {  	_ = 	snop  }
0x3c: {  	p2 =	seq.s32 s10, $0x1;
	s10 =	sld [smem:$0x3F9E]  }
0x3d: {  	_ =	shalt  }
0x3e: {  	_ =	shalt  }
0x3f: {  	_ =	shalt  }
0x40: {  	_ =	shalt  }
0x41: {  	_ =	shalt  }
0x42: {  	_ =	shalt  }
0x43: {  	_ =	shalt  }
0x44: {  	_ =	shalt  }
0x45: {  	_ =	shalt  }
0x46: {  	_ =	shalt  }
0x47: {  	_ =	shalt  }
0x48: {  	_ =	shalt  }
0x49: {  	_ =	shalt  }
0x4a: {  	_ =	shalt  }
0x4b: {  	_ =	shalt  }
0x4c: {  	_ =	shalt  }
0x4d: {  	_ =	shalt  }
0x4e: {  	_ =	shalt  }
0x4f: {  	_ =	shalt  }
0x50: {  	_ =	shalt  }
0x51: {  	_ =	shalt  }
0x52: {  	_ =	shalt  }
0x53: {  	_ =	shalt  }
0x54: {  	_ =	shalt  }
0x55: {  	_ =	shalt  }
0x56: {  	_ =	shalt  }
0x57: {  	_ =	shalt  }
0x58: {  	_ =	shalt  }
0x59: {  	_ =	shalt  }
0x5a: {  	_ =	shalt  }
0x5b: {  	_ =	shalt  }
0x5c: {  	_ =	shalt  }
0x5d: {  	_ =	shalt  }
0x5e: {  	_ =	shalt  }
0x5f: {  	_ =	shalt  }
0x60: {  	_ =	shalt  }
0x61: {  	_ =	shalt  }
0x62: {  	_ =	shalt  }
0x63: {  	_ =	shalt  }
0x64: {  	_ =	shalt  }
0x65: {  	_ =	shalt  }
0x66: {  	_ =	shalt  }
0x67: {  	_ =	shalt  }
0x68: {  	_ =	shalt  }
0x69: {  	_ =	shalt  }
0x6a: {  	_ =	shalt  }
0x6b: {  	_ =	shalt  }
0x6c: {  	_ =	shalt  }
0x6d: {  	_ =	shalt  }
0x6e: {  	_ =	shalt  }
0x6f: {  	_ =	shalt  }
0x70: {  	_ =	shalt  }
0x71: {  	_ =	shalt  }
0x72: {  	_ =	shalt  }
0x73: {  	_ =	shalt  }
0x74: {  	_ =	shalt  }
0x75: {  	_ =	shalt  }
0x76: {  	_ =	shalt  }
0x77: {  	_ =	shalt  }
0x78: {  	_ =	shalt  }
0x79: {  	_ =	shalt  }
0x7a: {  	_ =	shalt  }
0x7b: {  	_ =	shalt  }
0x7c: {  	_ =	shalt  }
0x7d: {  	_ =	shalt  }
0x7e: {  	_ =	shalt  }
0x7f: {  	_ =	shalt  }
0x80: {  	_ =	shalt  }
0x81: {  	_ =	shalt  }
0x82: {  	_ =	shalt  }
0x83: {  	_ =	shalt  }
0x84: {  	_ =	shalt  }
0x85: {  	_ =	shalt  }
0x86: {  	_ =	shalt  }
0x87: {  	_ =	shalt  }
.Lfunc_end0:
.L_simem_size_0:
called_computation.2_lowered:
.L_overlay_start_0:
0x88: {  	s2 =	sld [smem:$0x3FD9]  }
0x89: {  	s3 =	sld [smem:$0x3FFE];
	_ =	sdelay $0x1  }
0x8a: {  	s1 =	srdreg.scid  }
0x8b: {  	s0 =	sand.u32 $0x1, s1  }
0x8c: {  	s16 =	sshll.u32 s0, $0xA;
	s2 =	sadd.s32 s3, s2  }
0x8d: {  	s2 =	sadd.s32 s2, s16  }
0x8e: {  	[smem:$0x3FAA] =	sst s2  }
0x8f: {  	_ = 	snop  }
0x90: {  	(tm) =	ssettm $0x1  }
0x91: {  	s17 =	sld [smem:$0x3FFB];
	_ =	sdelay $0x3  }
0x92: {  	_ =	strace s17  }
0x93: {  	s2 =	sld [smem:$0x3FFC];
	_ =	sdelay $0x3  }
0x94: {  	_ =	strace s2  }
0x95: {  	s2 =	sld [smem:$0x3FFD];
	_ =	sdelay $0x3  }
0x96: {  	_ =	strace s2  }
0x97: {  	_ =	strace $0x8FFFFFFF  }
0x98: {  	s18 =	sld [smem:$0x3FDB];
	_ =	sdelay $0x1  }
0x99: {  	s19 =	simm.s32 $_scs_section_size  }
0x9a: {  	s4 =	simm.s32 $_size__tile_overlayer_lowered;
	s5 =	simm.s32 $_tile_overlayer_lowered  }
0x9b: {  	s22 =	simm.s32 $0x1BFF;
	s21 =	sshll.u32 s5, $0x1;
	s2 =	sadd.s32 s19, s18  }
0x9c: {  	s6 =	simm.s32 $0x0;
	s20 =	sshll.u32 s4, $0x1;
	s4 =	sadd.s32 s21, s2  }
0x9d: {  	[timem:s6], [sflag:s22] =	dma.local [hbm:s4], s20  }
0x9e: {  	_ =	swait.ge [sflag:s22], s20  }
0x9f: {  	s3 =	ssub.s32 $0x0, s20;
	[sflag:s22] =	ssyncset.done $0x0  }
0xa0: {  	[sflag:s22] =	ssyncadd.s32 s3;
	_ =	sdelay $0x1  }
0xa1: {  	s23 =	simm.s32 $0x1B8B  }
0xa2: {  	_ =	swait.ge [sflag:s23], $0x1  }
0xa3: {  	[sflag:s23] =	ssyncset.done $0x0  }
0xa4: {  	s25 =	simm.s32 $0x1B8E;
	s24 =	sld [smem:$0x3FFE];
	[sflag:s23] =	ssyncadd.s32 $0xFFFFFFFF  }
0xa5: {  	s26 =	simm.s32 $execute0_lowered;
	[smem:$0x3FD2] =	sst s25  }
0xa6: {  	s4 =	sshll.u32 s26, $0x1;
	_ =	strace $0x8000004C;
	[dreg:$0x1] =	wrdreg $0xFFFFFFFF  }
0xa7: {  	s28 =	simm.s32 $_size_execute0_lowered;
	s2 =	sadd.s32 s2, s4;
	[dreg:$0x0] =	wrdreg $0x0  }
0xa8: {  	s4 =	sshll.u32 s28, $0x1;
	[dreg:$0x2] =	wrdreg s2  }
0xa9: {  	[dreg:$0x3] =	wrdreg s4  }
0xaa: {  	[dreg:$0x4] =	wrdreg $0xC0  }
0xab: {  	_ =	task [dreg:s6], $0x5FFFF  }
0xac: {  	[dreg:$0x1] =	wrdreg $0xFFFFFFFF  }
0xad: {  	[dreg:$0x0] =	wrdreg $0x60  }
0xae: {  	[dreg:$0x2] =	wrdreg s24  }
0xaf: {  	[dreg:$0x3] =	wrdreg $0x102200  }
0xb0: {  	[dreg:$0x4] =	wrdreg $0x9  }
0xb1: {  	_ =	task.clear_ibuf [dreg:s6], $0x5FFFF;
	_ =	strace $0x9000004C  }
0xb2: {  	s29 =	simm.s32 $0x9;
	_ =	strace $0x8000004E  }
0xb3: {  	_ =	swait.ge [sflag:s29], $0x1  }
0xb4: {  	[sflag:s29] =	ssyncadd.s32 $0xFFFFFFFF  }
0xb5: {  	_ =	strace $0x9000004E  }
0xb6: {  	_ =	sfence  }
0xb7: {  	s30 =	sld [smem:$0x0];
	_ =	sdelay $0x2  }
0xb8: {  	s31 =	sshll.u32 s1, $0xD;
	s1 =	sshrl.u32 s1, $0x2  }
0xb9: {  	s3 =	sand.u32 $0x4000, s31;
	s1 =	sadd.s32 s1, s30  }
0xba: {  	s0 =	sor.u32 s3, s0;
	s1 =	sshll.u32 s1, $0x11  }
0xbb: {  	s0 =	sor.u32 s1, s0  }
0xbc: {  	s0 =	sadd.s32 $0x8F2B, s0  }
0xbd: {  	[sflag:s0] =	ssyncadd.remote.s32 $0x1  }
0xbe: {  	_ =	sfence.sel $0xFFFF  }
0xbf: {  	[dreg:$0x0] =	wrdreg $0xFFFFFFFF;
	(pc) =	sbr.abs _section_cstart, $3  }
0xc0: {  	[dreg:$0x1] =	wrdreg $0xFFFFFFFF  }
0xc1: {  	_ =	task.clear_ibuf [dreg:s6], $0x2FFFF;
	_ =	strace $0x9FFFFFFF  }
0xc2: {  	(tm) =	ssettm $0x7FFFFFFF  }
0xc3: {  	_ =	shalt  }
tec
execute0_lowered:
.L_overlay_start_1:
0x0: {  	(tag) =	ssettag $0x1  }
0x1: {  	s5 =	rddreg [dreg:$0x0]  }
0x2: {  	s2 =	rddreg [dreg:$0x1];
	s3 =	srdreg.scid  }
0x3: {  	s1 =	stileid.u32;
	s0 =	rddreg [dreg:$0x2];
	s11 =	simm.s32 $0x2  }
0x4: {  	s12 =	simm.s32 $0x2710;
	s13 =	simm.s32 $0x50;
	s14 =	simm.s32 $0x4E20  }
0x5: {  	s15 =	simm.s32 $0x1;
	s6 =	sand.u32 $0x1, s3;
	s7 =	smul.u32 $0xA000, s1  }
0x6: {  	s3 =	simm.s32 $0x0;
	s16 =	sshll.u32 s1, $0x6;
	s4 =	sshll.u32 s6, $0x4  }
0x7: {  	s8 =	smul.u32 $0xA0000, s6;
	[smem:$0x7FF] =	sst s3;
	s6 =	ssub.s32 $0x2, s6  }
0x8: {  	s16 =	sor.u32 $0x1C02, s16;
	s4 =	sor.u32 s1, s4;
	_ =	strace $0x8000004D  }
0x9: {  	s31 =	sshrl.u32 s6, $0x1;
	s9 =	smul.u32 $0x4E2, s4;
	s8 =	sadd.s32 s7, s8  }
0xa: {  	s4 =	sadd.s32 $0x65600, s5;
	s10 =	ssub.s32 s6, s31;
	s8 =	sshrl.u32 s8, $0x3  }
0xb: {  	s9 =	sadd.s32 s9, s5;
	s8 =	sadd.s32 s8, s5;
	s5 =	sadd.s32 s7, s2  }
0xc: {  	s6 =	sadd.s32 $0x1A00, s9;
	s7 =	sadd.s32 $0xB800, s9;
	s8 =	sadd.s32 $0x79000, s8  }
0xd: {  	v0 =	vimm.f32 $0.0e+00;
	s9 =	smax.u32 s10, $0x1;
	s10 =	simm.s32 $0x6220;
	s17 =	sshrl.u32 s5, $0x3  }
.LBB2_1:
0xe: {  	s19 =	simm.s32 $0x100;
	s18 =	simm.s32 $0x0  }
.LBB2_2:
0xf: {  	p0 =	sne.s32 s19, $0x27F00;
	[tilespmem:s18+$0x6250] =	vst v0;
	s20 =	smov.u32 s19;
	s19 =	sadd.s32 $0x100, s19  }
.Ltmp0:
0x10: {  	[tilespmem:s18+$0x6240] =	vst v0;
	(pc) =	sbr.rel @p0 .LBB2_2-.Ltmp0, $3  }
0x11: {  	[tilespmem:s18+$0x6220] =	vst v0  }
0x12: {  	[tilespmem:s18+$0x6230] =	vst v0;
	_ =	sdelay $0x1  }
0x13: {  	s18 =	sshra.s32 s20, $0x2  }
0x14: {  	[tilespmem:s18+$0x6250] =	vst v0  }
0x15: {  	[tilespmem:s18+$0x6240] =	vst v0  }
0x16: {  	[tilespmem:s18+$0x6220] =	vst v0  }
0x17: {  	[tilespmem:s18+$0x6230] =	vst v0  }
0x18: {  	[spmem:s5] =	stream.linear.scatter [tilespmem:s10], [sflag:$0x2], $0xA000, $0x38;
	[tilespmem:$0x1A220] =	vst v63  }
0x19: {  	_ =	swait.ge [sflag:s11], $0xA000  }
0x1a: {  	[sflag:s11] =	ssyncset.done $0x0  }
0x1b: {  	[sflag:s11] =	ssyncadd.s32 $0xFFFF6000  }
0x1c: {  	s29 =	simm.s32 $0x0;
	[bflag:$0x0] =	sbarrier.arrive $0xFFFF  }
0x1d: {  	[tilespmem:s29], [sflag:$0x2] =	stream.linear.gather [hbm4b:s6+s29], $0x2710, $0x38;
	[tilespmem:$0x1A220] =	vst v63  }
0x1e: {  	_ =	swait.ge [sflag:s11], $0x2710  }
0x1f: {  	[sflag:s11] =	ssyncset.done $0x0  }
0x20: {  	[sflag:s11] =	ssyncadd.s32 $0xFFFFD8F0  }
0x21: {  	[tilespmem:s12], [sflag:$0x2] =	stream.linear.gather [hbm4b:s7+s29], $0x2710, $0x38;
	[tilespmem:$0x1A220] =	vst v63  }
0x22: {  	_ =	swait.ge [sflag:s11], $0x2710  }
0x23: {  	[sflag:s11] =	ssyncset.done $0x0  }
0x24: {  	s30 =	simm.s32 $0x0;
	[sflag:s11] =	ssyncadd.s32 $0xFFFFD8F0  }
0x25: {  	[tilespmem:s14], [sflag:$0x1] =	stream.indirect.gather [hbm4b:s4+s13], $0x40, s30, s13, $0xb8;
	[tilespmem:$0x1A220] =	vst v63  }
0x26: {  	_ =	swait.ge [sflag:s15], $0x1400  }
0x27: {  	[sflag:s15] =	ssyncset.done $0x0  }
0x28: {  	s31 =	simm.s32 $0x2710;
	[sflag:s15] =	ssyncadd.s32 $0xFFFFEC00  }
0x29: {  	[spmem:s2] =	stream.indirect.scatter.add.f32 [tilespmem:s14], [sflag:$0x2], $0x40, s31, s13, $0xb8;
	[tilespmem:$0x1A220] =	vst v63  }
0x2a: {  	_ =	swait.ge [sflag:s11], $0x1400  }
0x2b: {  	s18 =	simm.s32 $0x140;
	s19 =	simm.s32 $0x280;
	[sflag:s11] =	ssyncset.done $0x0  }
.LBB2_4:
0x2c: {  	s20 =	sshra.s32 s18, $0x2  }
0x2d: {  	[sflag:s11] =	ssyncadd.s32 $0xFFFFEC00;
	s18 =	smov.u32 s19;
	s21 =	sadd.s32 $0x140, s19  }
0x2e: {  	[tilespmem:s14], [sflag:$0x1] =	stream.indirect.gather [hbm4b:s4+s13], $0x40, s20, s13, $0xb8;
	[tilespmem:$0x1A220] =	vst v63  }
0x2f: {  	p0 =	sne.s32 s19, $0x9B00;
	_ =	swait.ge [sflag:s15], $0x1400  }
.Ltmp1:
0x30: {  	[sflag:s15] =	ssyncset.done $0x0;
	(pc) =	sbr.rel @p0 .LBB2_4-.Ltmp1, $4  }
0x31: {  	s19 =	sadd.s32 $0x2710, s20;
	[sflag:s15] =	ssyncadd.s32 $0xFFFFEC00  }
0x32: {  	[spmem:s2] =	stream.indirect.scatter.add.f32 [tilespmem:s14], [sflag:$0x2], $0x40, s19, s13, $0xb8;
	[tilespmem:$0x1A220] =	vst v63  }
0x33: {  	_ =	swait.ge [sflag:s11], $0x1400  }
0x34: {  	s19 =	smov.u32 s21;
	[sflag:s11] =	ssyncset.done $0x0  }
0x35: {  	s18 =	sshra.s32 s18, $0x2;
	[sflag:s11] =	ssyncadd.s32 $0xFFFFEC00  }
0x36: {  	[tilespmem:s14], [sflag:$0x1] =	stream.indirect.gather [hbm4b:s4+s13], $0x40, s18, s13, $0xb8;
	[tilespmem:$0x1A220] =	vst v63  }
0x37: {  	_ =	swait.ge [sflag:s15], $0x1400  }
0x38: {  	[sflag:s15] =	ssyncset.done $0x0  }
0x39: {  	s18 =	sadd.s32 $0x2710, s18;
	[sflag:s15] =	ssyncadd.s32 $0xFFFFEC00  }
0x3a: {  	[spmem:s2] =	stream.indirect.scatter.add.f32 [tilespmem:s14], [sflag:$0x2], $0x40, s18, s13, $0xb8;
	[tilespmem:$0x1A220] =	vst v63  }
0x3b: {  	_ =	swait.ge [sflag:s11], $0x1400  }
0x3c: {  	s3 =	sadd.s32 $0x1, s3;
	[sflag:s11] =	ssyncset.done $0x0  }
0x3d: {  	p0 =	sne.s32 s3, s9;
	[sflag:s11] =	ssyncadd.s32 $0xFFFFEC00  }
.Ltmp2:
0x3e: {  	[bflag:$0x0] =	sbarrier.arrive $0xFFFF;
	(pc) =	sbr.rel @p0 .LBB2_1-.Ltmp2, $4  }
0x3f: {  	[hbm:s8], [sflag:s16] =	dma.local [spmem:s17], $0x1400  }
0x40: {  	_ =	swait.ge [sflag:s11], $0x1400  }
0x41: {  	[sflag:s11] =	ssyncset.done $0x0  }
0x42: {  	[sflag:s11] =	ssyncadd.s32 $0xFFFFEC00  }
0x43: {  	_ =	sfence.sel $0x180000  }
0x44: {  	[bflag:$0x0] =	sbarrier.arrive $0xFFFF  }
0x45: {  	p0 =	sne.s32 s1, $0x0;
	_ =	strace $0x9000004D  }
0x46: {  	s0 =	sadd.s32 @!p0 $0x100000, s0;
	[bflag:$0x2] =	sbarrier.arrive $0xFFFF  }
0x47: {  	[sflag:s0] =	ssyncadd.tile.s32 @!p0 $0x1;
	_ =	shalt  }
.Lfunc_end2:
_tile_overlayer_lowered:
.L_overlay_start_2:
0x48: {  	(tag) =	ssettag $0x2  }
0x49: {  	s0 =	rddreg [dreg:$0x0];
	s2 =	stileid.u32  }
0x4a: {  	s1 =	rddreg [dreg:$0x1];
	p0 =	sne.s32 s2, $0x0  }
0x4b: {  	s3 =	rddreg [dreg:$0x2];
	[bflag:$0x3] =	sbarrier.arrive $0xFFFF;
	s2 =	simm.s32 @!p0 $0x1C02  }
0x4c: {  	[timem:s3], [sflag:s2] =	dma.local @!p0 [hbm:s0], s1  }
0x4d: {  	s0 =	simm.s32 @!p0 $0x2  }
0x4e: {  	_ =	swait.ge @!p0 [sflag:s0], s1  }
0x4f: {  	s1 =	ssub.s32 @!p0 $0x0, s1;
	[sflag:s0] =	ssyncset.done @!p0 $0x0  }
0x50: {  	[sflag:s0] =	ssyncadd.s32 @!p0 s1  }
0x51: {  	[bflag:$0x3] =	sbarrier.arrive $0xFFFF  }
0x52: {  	_ =	shalt  }

// kernel: kernel.8.cloned.1.call-start
scs
__scs_entry_jumppad:
0x0: {  	(pc) =	sbr.rel $0x88, $3  }
0x1: {  	(tag) =	ssettag $0x0;
	lr =	simm.s32 $0x1  }
0x2: {  	[smem:$0x3F83] =	sst lr;
	_ =	strace $0xD0000000  }
0x3: {  	_ = 	snop  }
0x4: {  	_ = 	snop  }
0x5: {  	_ = 	snop  }
0x6: {  	_ = 	snop  }
0x7: {  	_ = 	snop  }
__scs_overlays_trampoline_lowered:
0x8: {  	[smem:$0x3F92] =	sst s0  }
0x9: {  	[smem:$0x3F93] =	sst s1  }
0xa: {  	[smem:$0x3F94] =	sst s2  }
0xb: {  	[smem:$0x3F95] =	sst s3  }
0xc: {  	[smem:$0x3F96] =	sst s4  }
0xd: {  	[smem:$0x3F97] =	sst s5  }
0xe: {  	[smem:$0x3F98] =	sst s6  }
0xf: {  	[smem:$0x3F99] =	sst s7  }
0x10: {  	[smem:$0x3F9A] =	sst s8  }
0x11: {  	[smem:$0x3F9B] =	sst s9;
	s0 =	simm.s32 @!p0 $0x0  }
0x12: {  	s1 =	sld [smem:$0x3F81];
	s0 =	simm.s32 @p0 $0x1  }
0x13: {  	[smem:$0x3F9C] =	sst s0;
	s0 =	simm.s32 @!p1 $0x0  }
0x14: {  	s2 =	sld [smem:$0x3F80];
	s0 =	simm.s32 @p1 $0x1  }
0x15: {  	[smem:$0x3F9D] =	sst s0;
	s0 =	simm.s32 @!p2 $0x0  }
0x16: {  	s3 =	sld [smem:$0x3FDB];
	s0 =	simm.s32 @p2 $0x1  }
0x17: {  	s4 =	simm.s32 $0x1BF5;
	[smem:$0x3F9F] =	sst s0  }
0x18: {  	s0 =	sld [smem:$0x3F82];
	_ =	swait.ge [sflag:s4], $0x0  }
0x19: {  	s7 =	sld [smem:$0x3F83]  }
0x1a: {  	s8 =	sadd.s32 $0xFFFFE003, lr  }
0x1b: {  	s9 =	sadd.s32 $0xFFFFFEF7, lr;
	s5 =	simm.s32 $0xFFFFFFFF;
	p2 =	slt.u32 s8, $0xFFFFF086  }
0x1c: {  	p1 =	slt.u32 s9, $0xF7A;
	s5 =	simm.s32 @!p2 $0x0  }
0x1d: {  	s5 =	simm.s32 @p1 $0x1;
	p0 =	seq.s32 s7, s2  }
0x1e: {  	s7 =	smul.u32 @!p0 $0xF7A, s2;
	p2 =	seq.s32 @!p0 s5, $0x0  }
0x1f: {  	s9 =	smul.u32 $0xF7A, s1;
	s8 =	simm.s32 @!p0 $0x1BF5;
	p2 =	por !p2, p0  }
0x20: {  	[sflag:s8] =	ssyncset.s32 @!p0 $0xFFFFF086;
	s6 =	sadd.s32 @!p0 s3, s7;
	s7 =	simm.s32 @!p0 $0x108  }
0x21: {  	s3 =	sadd.s32 s3, s9;
	s6 =	sadd.s32 @!p0 $0x88, s6;
	s7 =	simm.s32 @p2 $0x1082  }
0x22: {  	[simem:s7], [sflag:s8] =	dma.local @!p0 [hbm:s6], $0xF7A  }
0x23: {  	s9 =	sor.u32 $0xD0000000, s2;
	s6 =	simm.s32 $0x108;
	_ =	swait.ge @!p0 [sflag:s8], $0x0  }
0x24: {  	s3 =	sadd.s32 $0x88, s3;
	s6 =	simm.s32 @!p1 $0x1082;
	[sflag:s4] =	ssyncset.s32 $0xFFFFF086  }
0x25: {  	[simem:s6], [sflag:s4] =	dma.local [hbm:s3], $0xF7A  }
0x26: {  	[smem:$0x3F83] =	sst s1;
	(tag) =	ssettag s2;
	_ =	strace s9  }
0x27: {  	s1 =	sld [smem:$0x3F93]  }
0x28: {  	s2 =	sld [smem:$0x3F94]  }
0x29: {  	s4 =	sld [smem:$0x3F96]  }
0x2a: {  	p0 =	seq.s32 s5, $0x0;
	s5 =	sld [smem:$0x3F97]  }
0x2b: {  	s6 =	sld [smem:$0x3F98]  }
0x2c: {  	s7 =	sld [smem:$0x3F99]  }
0x2d: {  	s3 =	simm.s32 $0x108;
	s8 =	sld [smem:$0x3F9A]  }
0x2e: {  	s3 =	simm.s32 @!p0 $0x1082;
	s9 =	sld [smem:$0x3F9B]  }
0x2f: {  	lr =	sadd.s32 s0, s3;
	s0 =	sld [smem:$0x3F92]  }
0x30: {  	s3 =	sld [smem:$0x3F95]  }
0x31: {  	[smem:$0x3F9E] =	sst s10  }
0x32: {  	s10 =	sld [smem:$0x3F9C];
	_ =	sdelay $0x3  }
0x33: {  	p0 =	seq.s32 s10, $0x1;
	s10 =	sld [smem:$0x3F9E];
	_ =	sdelay $0x3  }
0x34: {  	[smem:$0x3F9E] =	sst s10  }
0x35: {  	s10 =	sld [smem:$0x3F9D];
	_ =	sdelay $0x3  }
0x36: {  	p1 =	seq.s32 s10, $0x1;
	s10 =	sld [smem:$0x3F9E];
	_ =	sdelay $0x3  }
0x37: {  	[smem:$0x3F9E] =	sst s10  }
0x38: {  	s10 =	sld [smem:$0x3F9F]  }
0x39: {  	_ = 	snop;
	(pc) =	sbr.ind lr, $3  }
0x3a: {  	_ = 	snop  }
0x3b: {  	_ = 	snop  }
0x3c: {  	p2 =	seq.s32 s10, $0x1;
	s10 =	sld [smem:$0x3F9E]  }
0x3d: {  	_ =	shalt  }
0x3e: {  	_ =	shalt  }
0x3f: {  	_ =	shalt  }
0x40: {  	_ =	shalt  }
0x41: {  	_ =	shalt  }
0x42: {  	_ =	shalt  }
0x43: {  	_ =	shalt  }
0x44: {  	_ =	shalt  }
0x45: {  	_ =	shalt  }
0x46: {  	_ =	shalt  }
0x47: {  	_ =	shalt  }
0x48: {  	_ =	shalt  }
0x49: {  	_ =	shalt  }
0x4a: {  	_ =	shalt  }
0x4b: {  	_ =	shalt  }
0x4c: {  	_ =	shalt  }
0x4d: {  	_ =	shalt  }
0x4e: {  	_ =	shalt  }
0x4f: {  	_ =	shalt  }
0x50: {  	_ =	shalt  }
0x51: {  	_ =	shalt  }
0x52: {  	_ =	shalt  }
0x53: {  	_ =	shalt  }
0x54: {  	_ =	shalt  }
0x55: {  	_ =	shalt  }
0x56: {  	_ =	shalt  }
0x57: {  	_ =	shalt  }
0x58: {  	_ =	shalt  }
0x59: {  	_ =	shalt  }
0x5a: {  	_ =	shalt  }
0x5b: {  	_ =	shalt  }
0x5c: {  	_ =	shalt  }
0x5d: {  	_ =	shalt  }
0x5e: {  	_ =	shalt  }
0x5f: {  	_ =	shalt  }
0x60: {  	_ =	shalt  }
0x61: {  	_ =	shalt  }
0x62: {  	_ =	shalt  }
0x63: {  	_ =	shalt  }
0x64: {  	_ =	shalt  }
0x65: {  	_ =	shalt  }
0x66: {  	_ =	shalt  }
0x67: {  	_ =	shalt  }
0x68: {  	_ =	shalt  }
0x69: {  	_ =	shalt  }
0x6a: {  	_ =	shalt  }
0x6b: {  	_ =	shalt  }
0x6c: {  	_ =	shalt  }
0x6d: {  	_ =	shalt  }
0x6e: {  	_ =	shalt  }
0x6f: {  	_ =	shalt  }
0x70: {  	_ =	shalt  }
0x71: {  	_ =	shalt  }
0x72: {  	_ =	shalt  }
0x73: {  	_ =	shalt  }
0x74: {  	_ =	shalt  }
0x75: {  	_ =	shalt  }
0x76: {  	_ =	shalt  }
0x77: {  	_ =	shalt  }
0x78: {  	_ =	shalt  }
0x79: {  	_ =	shalt  }
0x7a: {  	_ =	shalt  }
0x7b: {  	_ =	shalt  }
0x7c: {  	_ =	shalt  }
0x7d: {  	_ =	shalt  }
0x7e: {  	_ =	shalt  }
0x7f: {  	_ =	shalt  }
0x80: {  	_ =	shalt  }
0x81: {  	_ =	shalt  }
0x82: {  	_ =	shalt  }
0x83: {  	_ =	shalt  }
0x84: {  	_ =	shalt  }
0x85: {  	_ =	shalt  }
0x86: {  	_ =	shalt  }
0x87: {  	_ =	shalt  }
.Lfunc_end0:
.L_simem_size_0:
called_computation_lowered:
.L_overlay_start_0:
0x88: {  	s2 =	sld [smem:$0x3FD9]  }
0x89: {  	s3 =	sld [smem:$0x3FFE];
	_ =	sdelay $0x1  }
0x8a: {  	s1 =	srdreg.scid  }
0x8b: {  	s0 =	sand.u32 $0x1, s1  }
0x8c: {  	s17 =	sshll.u32 s0, $0xA;
	s2 =	sadd.s32 s3, s2  }
0x8d: {  	s2 =	sadd.s32 s2, s17  }
0x8e: {  	[smem:$0x3FAA] =	sst s2  }
0x8f: {  	_ = 	snop  }
0x90: {  	s2 =	sld [smem:$0x3FD0];
	(tm) =	ssettm $0x1  }
0x91: {  	s18 =	sld [smem:$0x3FFB];
	_ =	sdelay $0x3  }
0x92: {  	_ =	strace s18  }
0x93: {  	s3 =	sld [smem:$0x3FFC];
	_ =	sdelay $0x3  }
0x94: {  	_ =	strace s3  }
0x95: {  	s3 =	sld [smem:$0x3FFD];
	_ =	sdelay $0x3  }
0x96: {  	_ =	strace s3  }
0x97: {  	_ =	strace $0x8FFFFFFF  }
0x98: {  	s19 =	sld [smem:$0x3FDB];
	_ =	sdelay $0x1  }
0x99: {  	s4 =	simm.s32 $_scs_section_size  }
0x9a: {  	s5 =	simm.s32 $_size__tile_overlayer_lowered;
	s6 =	simm.s32 $_tile_overlayer_lowered  }
0x9b: {  	s22 =	simm.s32 $0x1BFF;
	s21 =	sshll.u32 s6, $0x1;
	s3 =	sadd.s32 s4, s19  }
0x9c: {  	s7 =	simm.s32 $0x0;
	s20 =	sshll.u32 s5, $0x1;
	s5 =	sadd.s32 s21, s3  }
0x9d: {  	[timem:s7], [sflag:s22] =	dma.local [hbm:s5], s20  }
0x9e: {  	_ =	swait.ge [sflag:s22], s20  }
0x9f: {  	s4 =	ssub.s32 $0x0, s20;
	[sflag:s22] =	ssyncset.done $0x0  }
0xa0: {  	[sflag:s22] =	ssyncadd.s32 s4;
	_ =	sdelay $0x1  }
0xa1: {  	s23 =	simm.s32 $0x1B8B  }
0xa2: {  	_ =	swait.ge [sflag:s23], $0x1  }
0xa3: {  	[sflag:s23] =	ssyncset.done $0x0  }
0xa4: {  	s25 =	simm.s32 $0x1B8E;
	s24 =	sld [smem:$0x3FFE];
	[sflag:s23] =	ssyncadd.s32 $0xFFFFFFFF  }
0xa5: {  	s26 =	simm.s32 $execute0_lowered;
	[smem:$0x3FD2] =	sst s25  }
0xa6: {  	s5 =	sshll.u32 s26, $0x1;
	_ =	strace $0x80000046;
	[dreg:$0x1] =	wrdreg $0xFFFFFFFF  }
0xa7: {  	s28 =	simm.s32 $_size_execute0_lowered;
	s3 =	sadd.s32 s3, s5;
	[dreg:$0x0] =	wrdreg $0x0  }
0xa8: {  	s5 =	sshll.u32 s28, $0x1;
	[dreg:$0x2] =	wrdreg s3  }
0xa9: {  	[dreg:$0x3] =	wrdreg s5  }
0xaa: {  	[dreg:$0x4] =	wrdreg $0xC0  }
0xab: {  	_ =	task [dreg:s7], $0x5FFFF  }
0xac: {  	[dreg:$0x1] =	wrdreg $0xFFFFFFFF  }
0xad: {  	[dreg:$0x0] =	wrdreg $0x60  }
0xae: {  	[dreg:$0x2] =	wrdreg s24  }
0xaf: {  	[dreg:$0x3] =	wrdreg s2  }
0xb0: {  	[dreg:$0x4] =	wrdreg $0x54100  }
0xb1: {  	[dreg:$0x5] =	wrdreg $0x9  }
0xb2: {  	_ =	task.clear_ibuf [dreg:s7], $0x6FFFF;
	_ =	strace $0x90000046  }
0xb3: {  	s29 =	simm.s32 $0x9;
	_ =	strace $0x80000048  }
0xb4: {  	_ =	swait.ge [sflag:s29], $0x1  }
0xb5: {  	[sflag:s29] =	ssyncadd.s32 $0xFFFFFFFF  }
0xb6: {  	_ =	strace $0x90000048  }
0xb7: {  	_ =	sfence  }
0xb8: {  	s30 =	sld [smem:$0x0];
	_ =	sdelay $0x2  }
0xb9: {  	s31 =	sshll.u32 s1, $0xD;
	s1 =	sshrl.u32 s1, $0x2  }
0xba: {  	s3 =	sand.u32 $0x4000, s31;
	s1 =	sadd.s32 s1, s30  }
0xbb: {  	s0 =	sor.u32 s3, s0;
	s1 =	sshll.u32 s1, $0x11  }
0xbc: {  	s0 =	sor.u32 s1, s0  }
0xbd: {  	s0 =	sadd.s32 $0x8F2B, s0  }
0xbe: {  	[sflag:s0] =	ssyncadd.remote.s32 $0x1  }
0xbf: {  	_ =	sfence.sel $0xFFFF  }
0xc0: {  	[dreg:$0x0] =	wrdreg $0xFFFFFFFF;
	(pc) =	sbr.abs _section_cstart, $3  }
0xc1: {  	[dreg:$0x1] =	wrdreg $0xFFFFFFFF  }
0xc2: {  	_ =	task.clear_ibuf [dreg:s7], $0x2FFFF;
	_ =	strace $0x9FFFFFFF  }
0xc3: {  	(tm) =	ssettm $0x7FFFFFFF  }
tec
execute0_lowered:
.L_overlay_start_1:
0x0: {  	(tag) =	ssettag $0x1  }
0x1: {  	s5 =	rddreg [dreg:$0x0]  }
0x2: {  	s6 =	rddreg [dreg:$0x1]  }
0x3: {  	s0 =	srdreg.scid;
	s2 =	rddreg [dreg:$0x2];
	s3 =	simm.s32 $0x0  }
0x4: {  	s11 =	simm.s32 $0x2710;
	s4 =	sand.u32 $0x1, s0;
	s0 =	stileid.u32  }
0x5: {  	[smem:$0x7FF] =	sst s3;
	s1 =	sshll.u32 s4, $0x4;
	s8 =	smul.u32 $0x2800, s0  }
0x6: {  	s9 =	ssub.s32 $0x2, s4;
	s4 =	smul.u32 $0x28000, s4;
	s12 =	sshll.u32 s0, $0x6  }
0x7: {  	s1 =	sor.u32 s0, s1;
	s10 =	sshrl.u32 s9, $0x1;
	s12 =	sor.u32 $0x1C01, s12  }
0x8: {  	s7 =	smul.u32 $0x4E2, s1;
	s1 =	rddreg [dreg:$0x3];
	_ =	strace $0x80000047  }
0x9: {  	s29 =	ssub.s32 s9, s10;
	s30 =	sadd.s32 s8, s4;
	s4 =	sadd.s32 s8, s2  }
0xa: {  	s8 =	simm.s32 $0x2C10;
	s9 =	simm.s32 $0x1;
	s10 =	simm.s32 $0x50  }
0xb: {  	s31 =	sshrl.u32 s30, $0x3;
	s13 =	sshrl.u32 s4, $0x3;
	s5 =	sadd.s32 s7, s5  }
0xc: {  	v0 =	vimm.f32 $1.000000000e+00;
	v1 =	vimm.f32 $0.0e+00;
	s6 =	sadd.s32 s6, s31;
	s7 =	smax.u32 s29, $0x1;
	s5 =	sadd.s32 $0xB800, s5  }
.LBB2_1:
0xd: {  	s14 =	simm.s32 $0x0  }
.LBB2_2:
0xe: {  	p0 =	sne.s32 s14, $0x13C0  }
.Ltmp0:
0xf: {  	_ = 	snop;
	(pc) =	sbr.rel @p0 .LBB2_2-.Ltmp0, $3  }
0x10: {  	_ =	sdelay $0x1  }
0x11: {  	s15 =	sshra.s32 s14, $0x2  }
0x12: {  	s14 =	sadd.s32 $0x40, s14;
	[tilespmem:s15+$0x2710] =	vst v0  }
0x13: {  	s14 =	simm.s32 $0x40;
	s15 =	simm.s32 $0x0  }
.LBB2_4:
0x14: {  	p0 =	sne.s32 s14, $0x9FC0;
	[tilespmem:s15+$0x2C10] =	vst v1;
	s15 =	smov.u32 s14;
	s14 =	sadd.s32 $0x40, s14  }
.Ltmp1:
0x15: {  	(pc) =	sbr.rel @p0 .LBB2_4-.Ltmp1, $2  }
0x16: {  	_ =	sdelay $0x2  }
0x17: {  	s15 =	sshra.s32 s15, $0x2  }
0x18: {  	[tilespmem:s15+$0x2C10] =	vst v1  }
0x19: {  	[spmem:s4] =	stream.linear.scatter [tilespmem:s8], [sflag:$0x1], $0x2800, $0x38;
	[tilespmem:$0x7C10] =	vst v63  }
0x1a: {  	_ =	swait.ge [sflag:s9], $0x2800  }
0x1b: {  	[sflag:s9] =	ssyncset.done $0x0  }
0x1c: {  	[sflag:s9] =	ssyncadd.s32 $0xFFFFD800  }
0x1d: {  	s14 =	simm.s32 $0x0;
	[bflag:$0x0] =	sbarrier.arrive $0xFFFF  }
0x1e: {  	[tilespmem:s14], [sflag:$0x1] =	stream.linear.gather [hbm4b:s5+s14], $0x2710, $0x38;
	[tilespmem:$0x7C10] =	vst v63  }
0x1f: {  	_ =	swait.ge [sflag:s9], $0x2710  }
0x20: {  	[sflag:s9] =	ssyncset.done $0x0  }
0x21: {  	s31 =	simm.s32 $0x0;
	[sflag:s9] =	ssyncadd.s32 $0xFFFFD8F0  }
0x22: {  	[spmem:s2] =	stream.indirect.scatter.add.f32 [tilespmem:s11], [sflag:$0x1], $0x10, s31, s10, $0xb8;
	[tilespmem:$0x7C10] =	vst v63  }
0x23: {  	_ =	swait.ge [sflag:s9], $0x500  }
0x24: {  	s14 =	simm.s32 $0x140;
	[sflag:s9] =	ssyncset.done $0x0  }
.LBB2_6:
0x25: {  	s15 =	sshra.s32 s14, $0x2;
	[sflag:s9] =	ssyncadd.s32 $0xFFFFFB00;
	p0 =	sne.s32 s14, $0x9B00  }
0x26: {  	[spmem:s2] =	stream.indirect.scatter.add.f32 [tilespmem:s11], [sflag:$0x1], $0x10, s15, s10, $0xb8;
	[tilespmem:$0x7C10] =	vst v63  }
.Ltmp2:
0x27: {  	_ = 	snop;
	(pc) =	sbr.rel @p0 .LBB2_6-.Ltmp2, $4  }
0x28: {  	_ = 	snop  }
0x29: {  	s14 =	sadd.s32 $0x140, s14  }
0x2a: {  	_ =	swait.ge [sflag:s9], $0x500  }
0x2b: {  	[sflag:s9] =	ssyncset.done $0x0  }
0x2c: {  	s3 =	sadd.s32 $0x1, s3  }
0x2d: {  	[sflag:s9] =	ssyncadd.s32 $0xFFFFFB00;
	p0 =	sne.s32 s3, s7  }
.Ltmp3:
0x2e: {  	[bflag:$0x0] =	sbarrier.arrive $0xFFFF;
	(pc) =	sbr.rel @p0 .LBB2_1-.Ltmp3, $4  }
0x2f: {  	[hbm:s6], [sflag:s12] =	dma.local [spmem:s13], $0x500  }
0x30: {  	_ =	swait.ge [sflag:s9], $0x500  }
0x31: {  	[sflag:s9] =	ssyncset.done $0x0  }
0x32: {  	[sflag:s9] =	ssyncadd.s32 $0xFFFFFB00  }
0x33: {  	_ =	sfence.sel $0x180000  }
0x34: {  	[bflag:$0x0] =	sbarrier.arrive $0xFFFF  }
0x35: {  	p0 =	sne.s32 s0, $0x0;
	_ =	strace $0x90000047  }
0x36: {  	s0 =	sadd.s32 @!p0 $0x100000, s1;
	[bflag:$0x2] =	sbarrier.arrive $0xFFFF  }
0x37: {  	[sflag:s0] =	ssyncadd.tile.s32 @!p0 $0x1;
	_ =	shalt  }
.Lfunc_end2:
_tile_overlayer_lowered:
.L_overlay_start_2:
0x38: {  	(tag) =	ssettag $0x2  }
0x39: {  	s0 =	rddreg [dreg:$0x0];
	s2 =	stileid.u32  }
0x3a: {  	s1 =	rddreg [dreg:$0x1];
	p0 =	sne.s32 s2, $0x0  }
0x3b: {  	s3 =	rddreg [dreg:$0x2];
	[bflag:$0x3] =	sbarrier.arrive $0xFFFF;
	s2 =	simm.s32 @!p0 $0x1C01  }
0x3c: {  	[timem:s3], [sflag:s2] =	dma.local @!p0 [hbm:s0], s1  }
0x3d: {  	s0 =	simm.s32 @!p0 $0x1  }
0x3e: {  	_ =	swait.ge @!p0 [sflag:s0], s1  }
0x3f: {  	s1 =	ssub.s32 @!p0 $0x0, s1;
	[sflag:s0] =	ssyncset.done @!p0 $0x0  }
0x40: {  	[sflag:s0] =	ssyncadd.s32 @!p0 s1  }
0x41: {  	[bflag:$0x3] =	sbarrier.arrive $0xFFFF  }
0x42: {  	_ =	shalt  }

</sc_bundles>
